<compile_context>
chip_gen: v7x
topology: tpu7x:2x2x1
jax: 0.10.2.dev20260603
libtpu: 0.0.44.dev20260713+nightly
codegen_flags: <defaults>
</compile_context>

<pallas_src>
import functools

import jax
import jax.numpy as jnp
from jax import lax
from jax.experimental import pallas as pl
from jax.experimental.pallas import tpu as pltpu
from jax.experimental.pallas import tpu_sc as plsc

N = 2048
D = 768
KNN = 5
MARGIN = 0.05
RB = 512
NRB = N // RB
THRW = 128


def _gather_rows_sc(z2, match_idx):
  info = plsc.get_sparse_core_info()
  nw = info.num_cores * info.num_subcores
  b_per_w = N // nw
  mesh = plsc.VectorSubcoreMesh(core_axis_name="c", subcore_axis_name="s")

  half = b_per_w // 2

  @functools.partial(
      pl.kernel,
      mesh=mesh,
      out_type=jax.ShapeDtypeStruct((N, D), jnp.float32),
      scratch_types=[
          pltpu.VMEM((b_per_w,), jnp.int32),
          pltpu.VMEM((half, D), jnp.float32),
          pltpu.VMEM((half, D), jnp.float32),
          pltpu.SemaphoreType.DMA,
          pltpu.SemaphoreType.DMA,
          pltpu.SemaphoreType.DMA,
          pltpu.SemaphoreType.DMA,
      ],
  )
  def k(z2_hbm, idx_hbm, out_hbm, idx_v, rows0, rows1, g0, g1, o0, o1):
    wid = lax.axis_index("s") * info.num_cores + lax.axis_index("c")
    base = wid * b_per_w
    pltpu.sync_copy(idx_hbm.at[pl.ds(base, b_per_w)], idx_v)
    cp0 = pltpu.async_copy(z2_hbm.at[idx_v.at[pl.ds(0, half)]], rows0, g0)
    cp1 = pltpu.async_copy(z2_hbm.at[idx_v.at[pl.ds(half, half)]], rows1, g1)
    cp0.wait()
    w0 = pltpu.async_copy(rows0, out_hbm.at[pl.ds(base, half)], o0)
    cp1.wait()
    w1 = pltpu.async_copy(rows1, out_hbm.at[pl.ds(base + half, half)], o1)
    w0.wait()
    w1.wait()

  return k(z2, match_idx)


def _thr_body(z1_ref, s_ref, thr_ref, sq1_ref):
  i = pl.program_id(0)

  @pl.when(i == 0)
  def _():
    a = z1_ref[...]
    sq1_ref[0, :] = jnp.sum(a * a, axis=1)

  rows = z1_ref[pl.ds(i * RB, RB), :]
  g = lax.dot_general(rows, z1_ref[...], (((1,), (1,)), ((), ())),
                      preferred_element_type=jnp.float32)
  s = sq1_ref[...] - 2.0 * g
  s_ref[...] = s

  inf = jnp.float32(jnp.inf)
  cols = []
  m = jnp.min(s, axis=1, keepdims=True)
  for _ in range(KNN):
    m = jnp.min(jnp.where(s > m, s, inf), axis=1, keepdims=True)
    cols.append(m)
  m = jnp.max(s, axis=1, keepdims=True)
  cols.append(m)
  for _ in range(KNN - 1):
    m = jnp.max(jnp.where(s < m, s, -inf), axis=1, keepdims=True)
    cols.append(m)
  pad = jnp.zeros((RB, THRW - 2 * KNN), jnp.float32)
  thr_ref[...] = jnp.concatenate(cols + [pad], axis=1)


def _thr(z1):
  return pl.pallas_call(
      _thr_body,
      grid=(NRB,),
      in_specs=[pl.BlockSpec((N, D), lambda i: (0, 0))],
      out_specs=[
          pl.BlockSpec((RB, N), lambda i: (i, 0)),
          pl.BlockSpec((RB, THRW), lambda i: (i, 0)),
      ],
      out_shape=[
          jax.ShapeDtypeStruct((N, N), jnp.float32),
          jax.ShapeDtypeStruct((N, THRW), jnp.float32),
      ],
      scratch_shapes=[pltpu.VMEM((1, N), jnp.float32)],
  )(z1)


def _loss_body(s_ref, thr_ref, z2p_ref, out_ref, z2n_ref):
  i = pl.program_id(0)

  @pl.when(i == 0)
  def _():
    b = z2p_ref[...]
    nrm = jnp.sqrt(jnp.sum(b * b, axis=1, keepdims=True))
    z2n_ref[...] = (b / jnp.maximum(nrm, 1e-12)).astype(jnp.bfloat16)
    out_ref[...] = jnp.zeros((1, 1), jnp.float32)

  @pl.when(i != 0)
  def _():
    j = i - 1
    s = s_ref[...]
    z2rows = z2n_ref[pl.ds(j * RB, RB), :]
    cm = lax.dot_general(z2rows, z2n_ref[...], (((1,), (1,)), ((), ())),
                         preferred_element_type=jnp.float32)

    def gather_at(k):
      m = thr_ref[:, k:k + 1]
      return jnp.sum(jnp.where(s == m, cm, 0.0), axis=1, keepdims=True)

    pos_c = [gather_at(k) for k in range(KNN)]
    neg_c = [gather_at(KNN + k) for k in range(KNN)]

    lo = jnp.float32(-1.0 + 1e-8)
    hi = jnp.float32(1.0 - 1e-8)
    total = jnp.zeros((RB, 1), jnp.float32)
    for k in range(KNN):
      cp = jnp.clip(pos_c[k], lo, hi)
      cn = jnp.clip(neg_c[KNN - 1 - k], lo, hi)
      total = total + jnp.maximum(cn - cp + MARGIN, 0.0)
    part = (jnp.sum(total) * (1.0 / (N * KNN))).reshape(1, 1)
    out_ref[...] += part


def _loss(s, thr, z2p):
  prev = lambda i: (jnp.maximum(i - 1, 0), 0)
  return pl.pallas_call(
      _loss_body,
      grid=(NRB + 1,),
      in_specs=[
          pl.BlockSpec((RB, N), prev),
          pl.BlockSpec((RB, THRW), prev),
          pl.BlockSpec((N, D), lambda i: (0, 0)),
      ],
      out_specs=pl.BlockSpec((1, 1), lambda i: (0, 0)),
      out_shape=jax.ShapeDtypeStruct((1, 1), jnp.float32),
      scratch_shapes=[pltpu.VMEM((N, D), jnp.bfloat16)],
  )(s, thr, z2p)


def kernel(z1, z2, match_idx):
  z2p = _gather_rows_sc(z2, match_idx)
  s, thr = _thr(z1)
  return _loss(s, thr, z2p)[0, 0]

# --- scband reference (transcript-rebuilt; emitter-appended) ---
"""Pipeline reference for scband-taco-58136677319225 (READ-ONLY COPY).

The authoritative reference and input builder live on the scoring server;
editing this copy changes nothing except your own understanding.
"""

import jax, jax.numpy as jnp
import numpy as np

K = 5
MARGIN = 0.05


def _normalize(x, eps=1e-12):
    n = jnp.linalg.norm(x, axis=-1, keepdims=True)
    return x / jnp.maximum(n, eps)


def _cos_dist(x, y, eps=1e-8):
    xn = _normalize(x)
    yn = _normalize(y)
    cs = jnp.sum(xn * yn, axis=-1)
    cs = jnp.clip(cs, -1.0 + eps, 1.0 - eps)
    return 1.0 - cs


def setup_inputs(seed: int = 0) -> dict:
    key = jax.random.key(seed)
    k1, k2 = jax.random.split(key)
    z1 = jax.random.normal(k1, (2048, 768), dtype=jnp.float32)
    z2 = jax.random.normal(k2, (2048, 768), dtype=jnp.float32)
    match_idx = jnp.arange(2048, dtype=jnp.int32)
    return {"z1": z1, "z2": z2, "match_idx": match_idx}


def reference(z1, z2, match_idx):
    # Faithful jax port of neighborhood_ranking_crossbrain (the retrieval-KNN core
    # of Taco.forward). Negatives are chosen deterministically as the K farthest
    # points (a valid member of the original sampling pool: non-self, non-neighbor)
    # so the reference is reproducible across frameworks.
    N = z1.shape[0]
    sq1 = jnp.sum(z1 * z1, axis=1)
    sq = sq1[:, None] + sq1[None, :] - 2.0 * (z1 @ z1.T)
    D1 = jnp.sqrt(jnp.clip(sq, 0.0, None) + 1e-12)  # torch.cdist(z1, z1)
    order = jnp.argsort(D1, axis=-1)
    neigh = order[:, 1:K + 1]          # k nearest (excluding self)
    neg = order[:, N - K:]             # deterministic negatives: k farthest
    i = jnp.broadcast_to(jnp.arange(N)[:, None], neigh.shape)
    i2 = match_idx[i]
    j2 = match_idx[neigh]
    n2 = match_idx[neg]
    d_pos = _cos_dist(z2[i2], z2[j2])
    d_neg = _cos_dist(z2[i2], z2[n2])
    loss = jnp.mean(jnp.maximum(d_pos - d_neg + MARGIN, 0.0))
    return loss

if __name__ == "__main__":
    import jax
    _d = setup_inputs()
    print(jax.jit(kernel)(*tuple(_d.values())))

</pallas_src>

<mosaic_0001>
#map = affine_map<(d0, d1) -> (0, 0)>
#map1 = affine_map<(d0, d1) -> (0)>
module attributes {stable_mosaic.version = 14 : i64} {
  func.func @k(%arg0: i32, %arg1: i32, %arg2: memref<2048x768xf32, #tpu.memory_space<hbm>>, %arg3: memref<2048xi32, #tpu.memory_space<hbm>>, %arg4: memref<2048x768xf32, #tpu.memory_space<hbm>>, %arg5: memref<64xi32, #tpu.memory_space<vmem>>, %arg6: memref<32x768xf32, #tpu.memory_space<vmem>>, %arg7: memref<32x768xf32, #tpu.memory_space<vmem>>, %arg8: memref<!tpu.dma_semaphore, #tpu.memory_space<semaphore_mem>>, %arg9: memref<!tpu.dma_semaphore, #tpu.memory_space<semaphore_mem>>, %arg10: memref<!tpu.dma_semaphore, #tpu.memory_space<semaphore_mem>>, %arg11: memref<!tpu.dma_semaphore, #tpu.memory_space<semaphore_mem>>) attributes {dimension_semantics = [#tpu.dimension_semantics<core_parallel>, #tpu.dimension_semantics<subcore_parallel>], iteration_bounds = array<i64: 2, 16>, scalar_prefetch = 0 : i64, scratch_operands = 7 : i64, tpu.core_type = #tpu.core_type<sc_vector_subcore>, window_params = [{transform_indices = #map}, {transform_indices = #map1}, {transform_indices = #map}]} {
    %mul3A = arith.constant 2 : i32
    %mul3A_0 = arith.muli %arg1, %mul3A : i32
    %add3A = arith.addi %mul3A_0, %arg0 : i32
    %mul3A_1 = arith.constant 64 : i32
    %mul3A_2 = arith.muli %add3A, %mul3A_1 : i32
    "tpu.region"() ({
      %run_scoped3A = tpu.sem_alloc : memref<!tpu.dma_semaphore, #tpu.memory_space<semaphore_mem>>
      %dma_start3A_39 = tpu.memref_slice %arg3[%mul3A_2] : memref<2048xi32, #tpu.memory_space<hbm>> -> memref<64xi32, #tpu.memory_space<hbm>>
      %dma_start3A_40 = tpu.memref_slice %arg3[%mul3A_2] : memref<2048xi32, #tpu.memory_space<hbm>> -> memref<64xi32, #tpu.memory_space<hbm>>
      tpu.enqueue_dma source(%dma_start3A_40 : memref<64xi32, #tpu.memory_space<hbm>>) target(%arg5 : memref<64xi32, #tpu.memory_space<vmem>>) target_semaphore(%run_scoped3A : memref<!tpu.dma_semaphore, #tpu.memory_space<semaphore_mem>>)
      %dma_wait3A_41 = tpu.memref_slice %arg3[%mul3A_2] : memref<2048xi32, #tpu.memory_space<hbm>> -> memref<64xi32, #tpu.memory_space<hbm>>
      %dma_wait3A_42 = tpu.memref_slice %arg3[%mul3A_2] : memref<2048xi32, #tpu.memory_space<hbm>> -> memref<64xi32, #tpu.memory_space<hbm>>
      tpu.wait_dma2 semaphore(%run_scoped3A : memref<!tpu.dma_semaphore, #tpu.memory_space<semaphore_mem>>) src(%dma_wait3A_42 : memref<64xi32, #tpu.memory_space<hbm>>) dst(%arg5 : memref<64xi32, #tpu.memory_space<vmem>>)
      tpu.yield
    }) : () -> ()
    %dma_start3A = arith.constant 0 : i32
    %dma_start3A_3 = tpu.memref_slice %arg5[%dma_start3A] : memref<64xi32, #tpu.memory_space<vmem>> -> memref<32xi32, #tpu.memory_space<vmem>>
    %dma_start3A_4 = arith.constant 0 : i32
    %dma_start3A_5 = arith.constant 0 : i32
    %dma_start3A_6 = tpu.memref_slice %arg2[%dma_start3A_4, %dma_start3A_5] : memref<2048x768xf32, #tpu.memory_space<hbm>> -> memref<2048x768xf32, #tpu.memory_space<hbm>>
    tpu.enqueue_indirect_dma source(%dma_start3A_6 : memref<2048x768xf32, #tpu.memory_space<hbm>>) target(%arg6 : memref<32x768xf32, #tpu.memory_space<vmem>>) offsets(%dma_start3A_3 : memref<32xi32, #tpu.memory_space<vmem>>) semaphore(%arg8 : memref<!tpu.dma_semaphore, #tpu.memory_space<semaphore_mem>>)
    %dma_start3A_7 = arith.constant 32 : i32
    %dma_start3A_8 = tpu.memref_slice %arg5[%dma_start3A_7] : memref<64xi32, #tpu.memory_space<vmem>> -> memref<32xi32, #tpu.memory_space<vmem>>
    %dma_start3A_9 = arith.constant 0 : i32
    %dma_start3A_10 = arith.constant 0 : i32
    %dma_start3A_11 = tpu.memref_slice %arg2[%dma_start3A_9, %dma_start3A_10] : memref<2048x768xf32, #tpu.memory_space<hbm>> -> memref<2048x768xf32, #tpu.memory_space<hbm>>
    tpu.enqueue_indirect_dma source(%dma_start3A_11 : memref<2048x768xf32, #tpu.memory_space<hbm>>) target(%arg7 : memref<32x768xf32, #tpu.memory_space<vmem>>) offsets(%dma_start3A_8 : memref<32xi32, #tpu.memory_space<vmem>>) semaphore(%arg9 : memref<!tpu.dma_semaphore, #tpu.memory_space<semaphore_mem>>)
    %dma_wait3A = arith.constant 0 : i32
    %dma_wait3A_12 = tpu.memref_slice %arg5[%dma_wait3A] : memref<64xi32, #tpu.memory_space<vmem>> -> memref<32xi32, #tpu.memory_space<vmem>>
    %dma_wait3A_13 = arith.constant 0 : i32
    %dma_wait3A_14 = arith.constant 0 : i32
    %dma_wait3A_15 = tpu.memref_slice %arg2[%dma_wait3A_13, %dma_wait3A_14] : memref<2048x768xf32, #tpu.memory_space<hbm>> -> memref<2048x768xf32, #tpu.memory_space<hbm>>
    tpu.wait_indirect_dma semaphore(%arg8 : memref<!tpu.dma_semaphore, #tpu.memory_space<semaphore_mem>>) src(%dma_wait3A_15 : memref<2048x768xf32, #tpu.memory_space<hbm>>) dst(%arg6 : memref<32x768xf32, #tpu.memory_space<vmem>>)
    %dma_start3A_16 = arith.constant 0 : i32
    %dma_start3A_17 = tpu.memref_slice %arg4[%mul3A_2, %dma_start3A_16] : memref<2048x768xf32, #tpu.memory_space<hbm>> -> memref<32x768xf32, #tpu.memory_space<hbm>>
    %dma_start3A_18 = arith.constant 0 : i32
    %dma_start3A_19 = tpu.memref_slice %arg4[%mul3A_2, %dma_start3A_18] : memref<2048x768xf32, #tpu.memory_space<hbm>> -> memref<32x768xf32, #tpu.memory_space<hbm>>
    tpu.enqueue_dma source(%arg6 : memref<32x768xf32, #tpu.memory_space<vmem>>) target(%dma_start3A_19 : memref<32x768xf32, #tpu.memory_space<hbm>>) target_semaphore(%arg10 : memref<!tpu.dma_semaphore, #tpu.memory_space<semaphore_mem>>)
    %dma_wait3A_20 = arith.constant 32 : i32
    %dma_wait3A_21 = tpu.memref_slice %arg5[%dma_wait3A_20] : memref<64xi32, #tpu.memory_space<vmem>> -> memref<32xi32, #tpu.memory_space<vmem>>
    %dma_wait3A_22 = arith.constant 0 : i32
    %dma_wait3A_23 = arith.constant 0 : i32
    %dma_wait3A_24 = tpu.memref_slice %arg2[%dma_wait3A_22, %dma_wait3A_23] : memref<2048x768xf32, #tpu.memory_space<hbm>> -> memref<2048x768xf32, #tpu.memory_space<hbm>>
    tpu.wait_indirect_dma semaphore(%arg9 : memref<!tpu.dma_semaphore, #tpu.memory_space<semaphore_mem>>) src(%dma_wait3A_24 : memref<2048x768xf32, #tpu.memory_space<hbm>>) dst(%arg7 : memref<32x768xf32, #tpu.memory_space<vmem>>)
    %add3A_25 = arith.constant 32 : i32
    %add3A_26 = arith.addi %mul3A_2, %add3A_25 : i32
    %dma_start3A_27 = arith.constant 0 : i32
    %dma_start3A_28 = tpu.memref_slice %arg4[%add3A_26, %dma_start3A_27] : memref<2048x768xf32, #tpu.memory_space<hbm>> -> memref<32x768xf32, #tpu.memory_space<hbm>>
    %dma_start3A_29 = arith.constant 0 : i32
    %dma_start3A_30 = tpu.memref_slice %arg4[%add3A_26, %dma_start3A_29] : memref<2048x768xf32, #tpu.memory_space<hbm>> -> memref<32x768xf32, #tpu.memory_space<hbm>>
    tpu.enqueue_dma source(%arg7 : memref<32x768xf32, #tpu.memory_space<vmem>>) target(%dma_start3A_30 : memref<32x768xf32, #tpu.memory_space<hbm>>) target_semaphore(%arg11 : memref<!tpu.dma_semaphore, #tpu.memory_space<semaphore_mem>>)
    %dma_wait3A_31 = arith.constant 0 : i32
    %dma_wait3A_32 = tpu.memref_slice %arg4[%mul3A_2, %dma_wait3A_31] : memref<2048x768xf32, #tpu.memory_space<hbm>> -> memref<32x768xf32, #tpu.memory_space<hbm>>
    %dma_wait3A_33 = arith.constant 0 : i32
    %dma_wait3A_34 = tpu.memref_slice %arg4[%mul3A_2, %dma_wait3A_33] : memref<2048x768xf32, #tpu.memory_space<hbm>> -> memref<32x768xf32, #tpu.memory_space<hbm>>
    tpu.wait_dma2 semaphore(%arg10 : memref<!tpu.dma_semaphore, #tpu.memory_space<semaphore_mem>>) src(%arg6 : memref<32x768xf32, #tpu.memory_space<vmem>>) dst(%dma_wait3A_34 : memref<32x768xf32, #tpu.memory_space<hbm>>)
    %dma_wait3A_35 = arith.constant 0 : i32
    %dma_wait3A_36 = tpu.memref_slice %arg4[%add3A_26, %dma_wait3A_35] : memref<2048x768xf32, #tpu.memory_space<hbm>> -> memref<32x768xf32, #tpu.memory_space<hbm>>
    %dma_wait3A_37 = arith.constant 0 : i32
    %dma_wait3A_38 = tpu.memref_slice %arg4[%add3A_26, %dma_wait3A_37] : memref<2048x768xf32, #tpu.memory_space<hbm>> -> memref<32x768xf32, #tpu.memory_space<hbm>>
    tpu.wait_dma2 semaphore(%arg11 : memref<!tpu.dma_semaphore, #tpu.memory_space<semaphore_mem>>) src(%arg7 : memref<32x768xf32, #tpu.memory_space<vmem>>) dst(%dma_wait3A_38 : memref<32x768xf32, #tpu.memory_space<hbm>>)
    return
  }
}

module attributes {stable_mosaic.version = 14 : i64} {
  func.func @_loss_body(%arg0: i32, %arg1: memref<512x2048xf32, #tpu.memory_space<vmem>>, %arg2: memref<512x128xf32, #tpu.memory_space<vmem>>, %arg3: memref<2048x768xf32, #tpu.memory_space<vmem>>, %arg4: memref<1x1xf32, #tpu.memory_space<vmem>>, %arg5: memref<2048x768xbf16, #tpu.memory_space<vmem>>) attributes {dimension_semantics = [#tpu.dimension_semantics<arbitrary>], iteration_bounds = array<i64: 5>, scalar_prefetch = 0 : i64, scratch_operands = 1 : i64, tpu.core_type = #tpu.core_type<tc>, window_params = [{transform_indices = @transform_0, window_bounds = array<i64: 512, 2048>}, {transform_indices = @transform_1, window_bounds = array<i64: 512, 128>}, {pipeline_mode = #tpu.pipeline_mode<synchronous>, transform_indices = @transform_2, window_bounds = array<i64: 2048, 768>}, {pipeline_mode = #tpu.pipeline_mode<synchronous>, transform_indices = @transform_3, window_bounds = array<i64: 1, 1>}]} {
    %eq3A = arith.constant 0 : i32
    %eq3A_0 = arith.cmpi eq, %arg0, %eq3A : i32
    %convert_element_type3A = arith.extui %eq3A_0 : i1 to i32
    %cond3A = arith.constant 0 : i32
    %cond3A_1 = arith.cmpi ne, %convert_element_type3A, %cond3A : i32
    scf.if %cond3A_1 {
      %get3A = arith.constant 0 : index
      %get3A_6 = arith.constant 0 : index
      %get3A_7 = vector.load %arg3[%get3A, %get3A_6] : memref<2048x768xf32, #tpu.memory_space<vmem>>, vector<2048x768xf32>
      %mul3A = arith.mulf %get3A_7, %get3A_7 : vector<2048x768xf32>
      %reduce_sum3A = arith.constant dense<0.000000e+00> : vector<2048xf32>
      %reduce_sum3A_8 = vector.multi_reduction <add>, %mul3A, %reduce_sum3A [1] : vector<2048x768xf32> to vector<2048xf32>
      %broadcast_in_dim3A = vector.shape_cast %reduce_sum3A_8 : vector<2048xf32> to vector<2048x1xf32>
      %sqrt3A = math.sqrt %broadcast_in_dim3A : vector<2048x1xf32>
      %max3A = arith.constant 9.99999996E-13 : f32
      %max3A_9 = vector.broadcast %max3A : f32 to vector<2048x1xf32>
      %max3A_10 = arith.maximumf %sqrt3A, %max3A_9 : vector<2048x1xf32>
      %div3A = vector.broadcast %max3A_10 : vector<2048x1xf32> to vector<2048x768xf32>
      %div3A_11 = arith.divf %get3A_7, %div3A : vector<2048x768xf32>
      %convert_element_type3A_12 = arith.truncf %div3A_11 : vector<2048x768xf32> to vector<2048x768xbf16>
      %swap3A = arith.constant 0 : index
      %swap3A_13 = arith.constant 0 : index
      %swap3A_14 = vector.load %arg5[%swap3A, %swap3A_13] : memref<2048x768xbf16, #tpu.memory_space<vmem>>, vector<2048x768xbf16>
      tpu.vector_store %arg5[%swap3A, %swap3A_13], %convert_element_type3A_12 {strides = array<i32>} : memref<2048x768xbf16, #tpu.memory_space<vmem>>, vector<2048x768xbf16>,
      %broadcast_in_dim3A_15 = arith.constant 0.000000e+00 : f32
      %broadcast_in_dim3A_16 = vector.broadcast %broadcast_in_dim3A_15 : f32 to vector<1x1xf32>
      %swap3A_17 = arith.constant 0 : index
      %swap3A_18 = arith.constant 0 : index
      %swap3A_19 = vector.load %arg4[%swap3A_17, %swap3A_18] : memref<1x1xf32, #tpu.memory_space<vmem>>, vector<1x1xf32>
      tpu.vector_store %arg4[%swap3A_17, %swap3A_18], %broadcast_in_dim3A_16 {strides = array<i32>} : memref<1x1xf32, #tpu.memory_space<vmem>>, vector<1x1xf32>,
    } else {
    }
    %ne3A = arith.constant 0 : i32
    %ne3A_2 = arith.cmpi ne, %arg0, %ne3A : i32
    %convert_element_type3A_3 = arith.extui %ne3A_2 : i1 to i32
    %cond3A_4 = arith.constant 0 : i32
    %cond3A_5 = arith.cmpi ne, %convert_element_type3A_3, %cond3A_4 : i32
    scf.if %cond3A_5 {
      %sub3A = arith.constant 1 : i32
      %sub3A_6 = arith.subi %arg0, %sub3A : i32
      %get3A = arith.constant 0 : index
      %get3A_7 = arith.constant 0 : index
      %get3A_8 = vector.load %arg1[%get3A, %get3A_7] : memref<512x2048xf32, #tpu.memory_space<vmem>>, vector<512x2048xf32>
      %mul3A = arith.constant 512 : i32
      %mul3A_9 = arith.muli %sub3A_6, %mul3A : i32
      %get3A_10 = arith.index_cast %mul3A_9 : i32 to index
      %get3A_11 = arith.constant 0 : index
      %get3A_12 = vector.load %arg5[%get3A_10, %get3A_11] : memref<2048x768xbf16, #tpu.memory_space<vmem>>, vector<512x768xbf16>
      %get3A_13 = arith.constant 0 : index
      %get3A_14 = arith.constant 0 : index
      %get3A_15 = vector.load %arg5[%get3A_13, %get3A_14] : memref<2048x768xbf16, #tpu.memory_space<vmem>>, vector<2048x768xbf16>
      %dot_general3A = arith.constant dense<0.000000e+00> : vector<512x2048xf32>
      %dot_general3A_16 = tpu.matmul %get3A_12, %get3A_15, %dot_general3A {dimension_numbers = #tpu.dot_dimension_numbers<[1], [1], [0], [0], [0, 0, 1, 0], [], []>, transpose_lhs_hint = false} : vector<512x768xbf16>, vector<2048x768xbf16>, vector<512x2048xf32> -> vector<512x2048xf32>
      %get3A_17 = arith.constant 0 : index
      %get3A_18 = arith.constant 0 : index
      %get3A_19 = vector.load %arg2[%get3A_17, %get3A_18] : memref<512x128xf32, #tpu.memory_space<vmem>>, vector<512x1xf32>
      %eq3A_20 = vector.broadcast %get3A_19 : vector<512x1xf32> to vector<512x2048xf32>
      %eq3A_21 = arith.cmpf oeq, %get3A_8, %eq3A_20 : vector<512x2048xf32>
      %jit3A = arith.constant 0.000000e+00 : f32
      %broadcast_in_dim3A = vector.broadcast %jit3A : f32 to vector<512x2048xf32>
      %select_n3A = arith.select %eq3A_21, %dot_general3A_16, %broadcast_in_dim3A : vector<512x2048xi1>, vector<512x2048xf32>
      %reduce_sum3A = arith.constant dense<0.000000e+00> : vector<512xf32>
      %reduce_sum3A_22 = vector.multi_reduction <add>, %select_n3A, %reduce_sum3A [1] : vector<512x2048xf32> to vector<512xf32>
      %broadcast_in_dim3A_23 = vector.shape_cast %reduce_sum3A_22 : vector<512xf32> to vector<512x1xf32>
      %get3A_24 = arith.constant 0 : index
      %get3A_25 = arith.constant 1 : index
      %get3A_26 = vector.load %arg2[%get3A_24, %get3A_25] : memref<512x128xf32, #tpu.memory_space<vmem>>, vector<512x1xf32>
      %eq3A_27 = vector.broadcast %get3A_26 : vector<512x1xf32> to vector<512x2048xf32>
      %eq3A_28 = arith.cmpf oeq, %get3A_8, %eq3A_27 : vector<512x2048xf32>
      %jit3A_29 = arith.constant 0.000000e+00 : f32
      %broadcast_in_dim3A_30 = vector.broadcast %jit3A_29 : f32 to vector<512x2048xf32>
      %select_n3A_31 = arith.select %eq3A_28, %dot_general3A_16, %broadcast_in_dim3A_30 : vector<512x2048xi1>, vector<512x2048xf32>
      %reduce_sum3A_32 = arith.constant dense<0.000000e+00> : vector<512xf32>
      %reduce_sum3A_33 = vector.multi_reduction <add>, %select_n3A_31, %reduce_sum3A_32 [1] : vector<512x2048xf32> to vector<512xf32>
      %broadcast_in_dim3A_34 = vector.shape_cast %reduce_sum3A_33 : vector<512xf32> to vector<512x1xf32>
      %get3A_35 = arith.constant 0 : index
      %get3A_36 = arith.constant 2 : index
      %get3A_37 = vector.load %arg2[%get3A_35, %get3A_36] : memref<512x128xf32, #tpu.memory_space<vmem>>, vector<512x1xf32>
      %eq3A_38 = vector.broadcast %get3A_37 : vector<512x1xf32> to vector<512x2048xf32>
      %eq3A_39 = arith.cmpf oeq, %get3A_8, %eq3A_38 : vector<512x2048xf32>
      %jit3A_40 = arith.constant 0.000000e+00 : f32
      %broadcast_in_dim3A_41 = vector.broadcast %jit3A_40 : f32 to vector<512x2048xf32>
      %select_n3A_42 = arith.select %eq3A_39, %dot_general3A_16, %broadcast_in_dim3A_41 : vector<512x2048xi1>, vector<512x2048xf32>
      %reduce_sum3A_43 = arith.constant dense<0.000000e+00> : vector<512xf32>
      %reduce_sum3A_44 = vector.multi_reduction <add>, %select_n3A_42, %reduce_sum3A_43 [1] : vector<512x2048xf32> to vector<512xf32>
      %broadcast_in_dim3A_45 = vector.shape_cast %reduce_sum3A_44 : vector<512xf32> to vector<512x1xf32>
      %get3A_46 = arith.constant 0 : index
      %get3A_47 = arith.constant 3 : index
      %get3A_48 = vector.load %arg2[%get3A_46, %get3A_47] : memref<512x128xf32, #tpu.memory_space<vmem>>, vector<512x1xf32>
      %eq3A_49 = vector.broadcast %get3A_48 : vector<512x1xf32> to vector<512x2048xf32>
      %eq3A_50 = arith.cmpf oeq, %get3A_8, %eq3A_49 : vector<512x2048xf32>
      %jit3A_51 = arith.constant 0.000000e+00 : f32
      %broadcast_in_dim3A_52 = vector.broadcast %jit3A_51 : f32 to vector<512x2048xf32>
      %select_n3A_53 = arith.select %eq3A_50, %dot_general3A_16, %broadcast_in_dim3A_52 : vector<512x2048xi1>, vector<512x2048xf32>
      %reduce_sum3A_54 = arith.constant dense<0.000000e+00> : vector<512xf32>
      %reduce_sum3A_55 = vector.multi_reduction <add>, %select_n3A_53, %reduce_sum3A_54 [1] : vector<512x2048xf32> to vector<512xf32>
      %broadcast_in_dim3A_56 = vector.shape_cast %reduce_sum3A_55 : vector<512xf32> to vector<512x1xf32>
      %get3A_57 = arith.constant 0 : index
      %get3A_58 = arith.constant 4 : index
      %get3A_59 = vector.load %arg2[%get3A_57, %get3A_58] : memref<512x128xf32, #tpu.memory_space<vmem>>, vector<512x1xf32>
      %eq3A_60 = vector.broadcast %get3A_59 : vector<512x1xf32> to vector<512x2048xf32>
      %eq3A_61 = arith.cmpf oeq, %get3A_8, %eq3A_60 : vector<512x2048xf32>
      %jit3A_62 = arith.constant 0.000000e+00 : f32
      %broadcast_in_dim3A_63 = vector.broadcast %jit3A_62 : f32 to vector<512x2048xf32>
      %select_n3A_64 = arith.select %eq3A_61, %dot_general3A_16, %broadcast_in_dim3A_63 : vector<512x2048xi1>, vector<512x2048xf32>
      %reduce_sum3A_65 = arith.constant dense<0.000000e+00> : vector<512xf32>
      %reduce_sum3A_66 = vector.multi_reduction <add>, %select_n3A_64, %reduce_sum3A_65 [1] : vector<512x2048xf32> to vector<512xf32>
      %broadcast_in_dim3A_67 = vector.shape_cast %reduce_sum3A_66 : vector<512xf32> to vector<512x1xf32>
      %get3A_68 = arith.constant 0 : index
      %get3A_69 = arith.constant 5 : index
      %get3A_70 = vector.load %arg2[%get3A_68, %get3A_69] : memref<512x128xf32, #tpu.memory_space<vmem>>, vector<512x1xf32>
      %eq3A_71 = vector.broadcast %get3A_70 : vector<512x1xf32> to vector<512x2048xf32>
      %eq3A_72 = arith.cmpf oeq, %get3A_8, %eq3A_71 : vector<512x2048xf32>
      %jit3A_73 = arith.constant 0.000000e+00 : f32
      %broadcast_in_dim3A_74 = vector.broadcast %jit3A_73 : f32 to vector<512x2048xf32>
      %select_n3A_75 = arith.select %eq3A_72, %dot_general3A_16, %broadcast_in_dim3A_74 : vector<512x2048xi1>, vector<512x2048xf32>
      %reduce_sum3A_76 = arith.constant dense<0.000000e+00> : vector<512xf32>
      %reduce_sum3A_77 = vector.multi_reduction <add>, %select_n3A_75, %reduce_sum3A_76 [1] : vector<512x2048xf32> to vector<512xf32>
      %broadcast_in_dim3A_78 = vector.shape_cast %reduce_sum3A_77 : vector<512xf32> to vector<512x1xf32>
      %get3A_79 = arith.constant 0 : index
      %get3A_80 = arith.constant 6 : index
      %get3A_81 = vector.load %arg2[%get3A_79, %get3A_80] : memref<512x128xf32, #tpu.memory_space<vmem>>, vector<512x1xf32>
      %eq3A_82 = vector.broadcast %get3A_81 : vector<512x1xf32> to vector<512x2048xf32>
      %eq3A_83 = arith.cmpf oeq, %get3A_8, %eq3A_82 : vector<512x2048xf32>
      %jit3A_84 = arith.constant 0.000000e+00 : f32
      %broadcast_in_dim3A_85 = vector.broadcast %jit3A_84 : f32 to vector<512x2048xf32>
      %select_n3A_86 = arith.select %eq3A_83, %dot_general3A_16, %broadcast_in_dim3A_85 : vector<512x2048xi1>, vector<512x2048xf32>
      %reduce_sum3A_87 = arith.constant dense<0.000000e+00> : vector<512xf32>
      %reduce_sum3A_88 = vector.multi_reduction <add>, %select_n3A_86, %reduce_sum3A_87 [1] : vector<512x2048xf32> to vector<512xf32>
      %broadcast_in_dim3A_89 = vector.shape_cast %reduce_sum3A_88 : vector<512xf32> to vector<512x1xf32>
      %get3A_90 = arith.constant 0 : index
      %get3A_91 = arith.constant 7 : index
      %get3A_92 = vector.load %arg2[%get3A_90, %get3A_91] : memref<512x128xf32, #tpu.memory_space<vmem>>, vector<512x1xf32>
      %eq3A_93 = vector.broadcast %get3A_92 : vector<512x1xf32> to vector<512x2048xf32>
      %eq3A_94 = arith.cmpf oeq, %get3A_8, %eq3A_93 : vector<512x2048xf32>
      %jit3A_95 = arith.constant 0.000000e+00 : f32
      %broadcast_in_dim3A_96 = vector.broadcast %jit3A_95 : f32 to vector<512x2048xf32>
      %select_n3A_97 = arith.select %eq3A_94, %dot_general3A_16, %broadcast_in_dim3A_96 : vector<512x2048xi1>, vector<512x2048xf32>
      %reduce_sum3A_98 = arith.constant dense<0.000000e+00> : vector<512xf32>
      %reduce_sum3A_99 = vector.multi_reduction <add>, %select_n3A_97, %reduce_sum3A_98 [1] : vector<512x2048xf32> to vector<512xf32>
      %broadcast_in_dim3A_100 = vector.shape_cast %reduce_sum3A_99 : vector<512xf32> to vector<512x1xf32>
      %get3A_101 = arith.constant 0 : index
      %get3A_102 = arith.constant 8 : index
      %get3A_103 = vector.load %arg2[%get3A_101, %get3A_102] : memref<512x128xf32, #tpu.memory_space<vmem>>, vector<512x1xf32>
      %eq3A_104 = vector.broadcast %get3A_103 : vector<512x1xf32> to vector<512x2048xf32>
      %eq3A_105 = arith.cmpf oeq, %get3A_8, %eq3A_104 : vector<512x2048xf32>
      %jit3A_106 = arith.constant 0.000000e+00 : f32
      %broadcast_in_dim3A_107 = vector.broadcast %jit3A_106 : f32 to vector<512x2048xf32>
      %select_n3A_108 = arith.select %eq3A_105, %dot_general3A_16, %broadcast_in_dim3A_107 : vector<512x2048xi1>, vector<512x2048xf32>
      %reduce_sum3A_109 = arith.constant dense<0.000000e+00> : vector<512xf32>
      %reduce_sum3A_110 = vector.multi_reduction <add>, %select_n3A_108, %reduce_sum3A_109 [1] : vector<512x2048xf32> to vector<512xf32>
      %broadcast_in_dim3A_111 = vector.shape_cast %reduce_sum3A_110 : vector<512xf32> to vector<512x1xf32>
      %get3A_112 = arith.constant 0 : index
      %get3A_113 = arith.constant 9 : index
      %get3A_114 = vector.load %arg2[%get3A_112, %get3A_113] : memref<512x128xf32, #tpu.memory_space<vmem>>, vector<512x1xf32>
      %eq3A_115 = vector.broadcast %get3A_114 : vector<512x1xf32> to vector<512x2048xf32>
      %eq3A_116 = arith.cmpf oeq, %get3A_8, %eq3A_115 : vector<512x2048xf32>
      %jit3A_117 = arith.constant 0.000000e+00 : f32
      %broadcast_in_dim3A_118 = vector.broadcast %jit3A_117 : f32 to vector<512x2048xf32>
      %select_n3A_119 = arith.select %eq3A_116, %dot_general3A_16, %broadcast_in_dim3A_118 : vector<512x2048xi1>, vector<512x2048xf32>
      %reduce_sum3A_120 = arith.constant dense<0.000000e+00> : vector<512xf32>
      %reduce_sum3A_121 = vector.multi_reduction <add>, %select_n3A_119, %reduce_sum3A_120 [1] : vector<512x2048xf32> to vector<512xf32>
      %broadcast_in_dim3A_122 = vector.shape_cast %reduce_sum3A_121 : vector<512xf32> to vector<512x1xf32>
      %broadcast_in_dim3A_123 = arith.constant 0.000000e+00 : f32
      %broadcast_in_dim3A_124 = vector.broadcast %broadcast_in_dim3A_123 : f32 to vector<512x1xf32>
      %jit3A_125 = arith.constant -1.000000e+00 : f32
      %jit3A_126 = arith.constant 1.000000e+00 : f32
      %max3A = vector.broadcast %jit3A_125 : f32 to vector<512x1xf32>
      %max3A_127 = arith.maximumf %max3A, %broadcast_in_dim3A_23 : vector<512x1xf32>
      %min3A = vector.broadcast %jit3A_126 : f32 to vector<512x1xf32>
      %min3A_128 = arith.minimumf %min3A, %max3A_127 : vector<512x1xf32>
      %jit3A_129 = arith.constant -1.000000e+00 : f32
      %jit3A_130 = arith.constant 1.000000e+00 : f32
      %max3A_131 = vector.broadcast %jit3A_129 : f32 to vector<512x1xf32>
      %max3A_132 = arith.maximumf %max3A_131, %broadcast_in_dim3A_122 : vector<512x1xf32>
      %min3A_133 = vector.broadcast %jit3A_130 : f32 to vector<512x1xf32>
      %min3A_134 = arith.minimumf %min3A_133, %max3A_132 : vector<512x1xf32>
      %sub3A_135 = arith.subf %min3A_134, %min3A_128 : vector<512x1xf32>
      %add3A = arith.constant 5.000000e-02 : f32
      %add3A_136 = vector.broadcast %add3A : f32 to vector<512x1xf32>
      %add3A_137 = arith.addf %sub3A_135, %add3A_136 : vector<512x1xf32>
      %max3A_138 = arith.constant 0.000000e+00 : f32
      %max3A_139 = vector.broadcast %max3A_138 : f32 to vector<512x1xf32>
      %max3A_140 = arith.maximumf %add3A_137, %max3A_139 : vector<512x1xf32>
      %add3A_141 = arith.addf %broadcast_in_dim3A_124, %max3A_140 : vector<512x1xf32>
      %jit3A_142 = arith.constant -1.000000e+00 : f32
      %jit3A_143 = arith.constant 1.000000e+00 : f32
      %max3A_144 = vector.broadcast %jit3A_142 : f32 to vector<512x1xf32>
      %max3A_145 = arith.maximumf %max3A_144, %broadcast_in_dim3A_34 : vector<512x1xf32>
      %min3A_146 = vector.broadcast %jit3A_143 : f32 to vector<512x1xf32>
      %min3A_147 = arith.minimumf %min3A_146, %max3A_145 : vector<512x1xf32>
      %jit3A_148 = arith.constant -1.000000e+00 : f32
      %jit3A_149 = arith.constant 1.000000e+00 : f32
      %max3A_150 = vector.broadcast %jit3A_148 : f32 to vector<512x1xf32>
      %max3A_151 = arith.maximumf %max3A_150, %broadcast_in_dim3A_111 : vector<512x1xf32>
      %min3A_152 = vector.broadcast %jit3A_149 : f32 to vector<512x1xf32>
      %min3A_153 = arith.minimumf %min3A_152, %max3A_151 : vector<512x1xf32>
      %sub3A_154 = arith.subf %min3A_153, %min3A_147 : vector<512x1xf32>
      %add3A_155 = arith.constant 5.000000e-02 : f32
      %add3A_156 = vector.broadcast %add3A_155 : f32 to vector<512x1xf32>
      %add3A_157 = arith.addf %sub3A_154, %add3A_156 : vector<512x1xf32>
      %max3A_158 = arith.constant 0.000000e+00 : f32
      %max3A_159 = vector.broadcast %max3A_158 : f32 to vector<512x1xf32>
      %max3A_160 = arith.maximumf %add3A_157, %max3A_159 : vector<512x1xf32>
      %add3A_161 = arith.addf %add3A_141, %max3A_160 : vector<512x1xf32>
      %jit3A_162 = arith.constant -1.000000e+00 : f32
      %jit3A_163 = arith.constant 1.000000e+00 : f32
      %max3A_164 = vector.broadcast %jit3A_162 : f32 to vector<512x1xf32>
      %max3A_165 = arith.maximumf %max3A_164, %broadcast_in_dim3A_45 : vector<512x1xf32>
      %min3A_166 = vector.broadcast %jit3A_163 : f32 to vector<512x1xf32>
      %min3A_167 = arith.minimumf %min3A_166, %max3A_165 : vector<512x1xf32>
      %jit3A_168 = arith.constant -1.000000e+00 : f32
      %jit3A_169 = arith.constant 1.000000e+00 : f32
      %max3A_170 = vector.broadcast %jit3A_168 : f32 to vector<512x1xf32>
      %max3A_171 = arith.maximumf %max3A_170, %broadcast_in_dim3A_100 : vector<512x1xf32>
      %min3A_172 = vector.broadcast %jit3A_169 : f32 to vector<512x1xf32>
      %min3A_173 = arith.minimumf %min3A_172, %max3A_171 : vector<512x1xf32>
      %sub3A_174 = arith.subf %min3A_173, %min3A_167 : vector<512x1xf32>
      %add3A_175 = arith.constant 5.000000e-02 : f32
      %add3A_176 = vector.broadcast %add3A_175 : f32 to vector<512x1xf32>
      %add3A_177 = arith.addf %sub3A_174, %add3A_176 : vector<512x1xf32>
      %max3A_178 = arith.constant 0.000000e+00 : f32
      %max3A_179 = vector.broadcast %max3A_178 : f32 to vector<512x1xf32>
      %max3A_180 = arith.maximumf %add3A_177, %max3A_179 : vector<512x1xf32>
      %add3A_181 = arith.addf %add3A_161, %max3A_180 : vector<512x1xf32>
      %jit3A_182 = arith.constant -1.000000e+00 : f32
      %jit3A_183 = arith.constant 1.000000e+00 : f32
      %max3A_184 = vector.broadcast %jit3A_182 : f32 to vector<512x1xf32>
      %max3A_185 = arith.maximumf %max3A_184, %broadcast_in_dim3A_56 : vector<512x1xf32>
      %min3A_186 = vector.broadcast %jit3A_183 : f32 to vector<512x1xf32>
      %min3A_187 = arith.minimumf %min3A_186, %max3A_185 : vector<512x1xf32>
      %jit3A_188 = arith.constant -1.000000e+00 : f32
      %jit3A_189 = arith.constant 1.000000e+00 : f32
      %max3A_190 = vector.broadcast %jit3A_188 : f32 to vector<512x1xf32>
      %max3A_191 = arith.maximumf %max3A_190, %broadcast_in_dim3A_89 : vector<512x1xf32>
      %min3A_192 = vector.broadcast %jit3A_189 : f32 to vector<512x1xf32>
      %min3A_193 = arith.minimumf %min3A_192, %max3A_191 : vector<512x1xf32>
      %sub3A_194 = arith.subf %min3A_193, %min3A_187 : vector<512x1xf32>
      %add3A_195 = arith.constant 5.000000e-02 : f32
      %add3A_196 = vector.broadcast %add3A_195 : f32 to vector<512x1xf32>
      %add3A_197 = arith.addf %sub3A_194, %add3A_196 : vector<512x1xf32>
      %max3A_198 = arith.constant 0.000000e+00 : f32
      %max3A_199 = vector.broadcast %max3A_198 : f32 to vector<512x1xf32>
      %max3A_200 = arith.maximumf %add3A_197, %max3A_199 : vector<512x1xf32>
      %add3A_201 = arith.addf %add3A_181, %max3A_200 : vector<512x1xf32>
      %jit3A_202 = arith.constant -1.000000e+00 : f32
      %jit3A_203 = arith.constant 1.000000e+00 : f32
      %max3A_204 = vector.broadcast %jit3A_202 : f32 to vector<512x1xf32>
      %max3A_205 = arith.maximumf %max3A_204, %broadcast_in_dim3A_67 : vector<512x1xf32>
      %min3A_206 = vector.broadcast %jit3A_203 : f32 to vector<512x1xf32>
      %min3A_207 = arith.minimumf %min3A_206, %max3A_205 : vector<512x1xf32>
      %jit3A_208 = arith.constant -1.000000e+00 : f32
      %jit3A_209 = arith.constant 1.000000e+00 : f32
      %max3A_210 = vector.broadcast %jit3A_208 : f32 to vector<512x1xf32>
      %max3A_211 = arith.maximumf %max3A_210, %broadcast_in_dim3A_78 : vector<512x1xf32>
      %min3A_212 = vector.broadcast %jit3A_209 : f32 to vector<512x1xf32>
      %min3A_213 = arith.minimumf %min3A_212, %max3A_211 : vector<512x1xf32>
      %sub3A_214 = arith.subf %min3A_213, %min3A_207 : vector<512x1xf32>
      %add3A_215 = arith.constant 5.000000e-02 : f32
      %add3A_216 = vector.broadcast %add3A_215 : f32 to vector<512x1xf32>
      %add3A_217 = arith.addf %sub3A_214, %add3A_216 : vector<512x1xf32>
      %max3A_218 = arith.constant 0.000000e+00 : f32
      %max3A_219 = vector.broadcast %max3A_218 : f32 to vector<512x1xf32>
      %max3A_220 = arith.maximumf %add3A_217, %max3A_219 : vector<512x1xf32>
      %add3A_221 = arith.addf %add3A_201, %max3A_220 : vector<512x1xf32>
      %reduce_sum3A_222 = vector.shape_cast %add3A_221 : vector<512x1xf32> to vector<1x512x1xf32>
      %reduce_sum3A_223 = arith.constant dense<0.000000e+00> : vector<1xf32>
      %reduce_sum3A_224 = vector.multi_reduction <add>, %reduce_sum3A_222, %reduce_sum3A_223 [1, 2] : vector<1x512x1xf32> to vector<1xf32>
      %reduce_sum3A_225 = vector.shape_cast %reduce_sum3A_224 : vector<1xf32> to vector<1x1x1xf32>
      %reduce_sum3A_226 = vector.extract %reduce_sum3A_225[0, 0, 0] : f32 from vector<1x1x1xf32>
      %mul3A_227 = arith.constant 9.76562514E-5 : f32
      %mul3A_228 = arith.mulf %reduce_sum3A_226, %mul3A_227 : f32
      %reshape3A = vector.broadcast %mul3A_228 : f32 to vector<1x1xf32>
      %get3A_229 = arith.constant 0 : index
      %get3A_230 = arith.constant 0 : index
      %get3A_231 = vector.load %arg4[%get3A_229, %get3A_230] : memref<1x1xf32, #tpu.memory_space<vmem>>, vector<1x1xf32>
      %add3A_232 = arith.addf %get3A_231, %reshape3A : vector<1x1xf32>
      %swap3A = arith.constant 0 : index
      %swap3A_233 = arith.constant 0 : index
      %swap3A_234 = vector.load %arg4[%swap3A, %swap3A_233] : memref<1x1xf32, #tpu.memory_space<vmem>>, vector<1x1xf32>
      tpu.vector_store %arg4[%swap3A, %swap3A_233], %add3A_232 {strides = array<i32>} : memref<1x1xf32, #tpu.memory_space<vmem>>, vector<1x1xf32>,
    } else {
    }
    return
  }
  func.func @transform_0(%arg0: i32) -> (i32, i32) {
    %sub3A = arith.constant 1 : i32
    %sub3A_0 = arith.subi %arg0, %sub3A : i32
    %max3A = arith.constant 0 : i32
    %max3A_1 = arith.maxsi %sub3A_0, %max3A : i32
    %c0_i32 = arith.constant 0 : i32
    %c0_i32_2 = arith.constant 0 : i32
    return %max3A_1, %c0_i32 : i32, i32
  }
  func.func @transform_1(%arg0: i32) -> (i32, i32) {
    %sub3A = arith.constant 1 : i32
    %sub3A_0 = arith.subi %arg0, %sub3A : i32
    %max3A = arith.constant 0 : i32
    %max3A_1 = arith.maxsi %sub3A_0, %max3A : i32
    %c0_i32 = arith.constant 0 : i32
    %c0_i32_2 = arith.constant 0 : i32
    return %max3A_1, %c0_i32 : i32, i32
  }
  func.func @transform_2(%arg0: i32) -> (i32, i32) {
    %c0_i32 = arith.constant 0 : i32
    %c0_i32_0 = arith.constant 0 : i32
    %c0_i32_1 = arith.constant 0 : i32
    return %c0_i32, %c0_i32_0 : i32, i32
  }
  func.func @transform_3(%arg0: i32) -> (i32, i32) {
    %c0_i32 = arith.constant 0 : i32
    %c0_i32_0 = arith.constant 0 : i32
    %c0_i32_1 = arith.constant 0 : i32
    return %c0_i32, %c0_i32_0 : i32, i32
  }
}

module attributes {stable_mosaic.version = 14 : i64} {
  func.func @_thr_body(%arg0: i32, %arg1: memref<2048x768xf32, #tpu.memory_space<vmem>>, %arg2: memref<512x2048xf32, #tpu.memory_space<vmem>>, %arg3: memref<512x128xf32, #tpu.memory_space<vmem>>, %arg4: memref<1x2048xf32, #tpu.memory_space<vmem>>) attributes {dimension_semantics = [#tpu.dimension_semantics<arbitrary>], iteration_bounds = array<i64: 4>, scalar_prefetch = 0 : i64, scratch_operands = 1 : i64, tpu.core_type = #tpu.core_type<tc>, window_params = [{pipeline_mode = #tpu.pipeline_mode<synchronous>, transform_indices = @transform_0, window_bounds = array<i64: 2048, 768>}, {transform_indices = @transform_1, window_bounds = array<i64: 512, 2048>}, {transform_indices = @transform_2, window_bounds = array<i64: 512, 128>}]} {
    %eq3A = arith.constant 0 : i32
    %eq3A_0 = arith.cmpi eq, %arg0, %eq3A : i32
    %convert_element_type3A = arith.extui %eq3A_0 : i1 to i32
    %cond3A = arith.constant 0 : i32
    %cond3A_1 = arith.cmpi ne, %convert_element_type3A, %cond3A : i32
    scf.if %cond3A_1 {
      %get3A_101 = arith.constant 0 : index
      %get3A_102 = arith.constant 0 : index
      %get3A_103 = vector.load %arg1[%get3A_101, %get3A_102] : memref<2048x768xf32, #tpu.memory_space<vmem>>, vector<2048x768xf32>
      %mul3A_104 = arith.mulf %get3A_103, %get3A_103 : vector<2048x768xf32>
      %reduce_sum3A = arith.constant dense<0.000000e+00> : vector<2048xf32>
      %reduce_sum3A_105 = vector.multi_reduction <add>, %mul3A_104, %reduce_sum3A [1] : vector<2048x768xf32> to vector<2048xf32>
      %swap3A_106 = arith.constant 0 : index
      %swap3A_107 = arith.constant 0 : index
      %swap3A_108 = vector.load %arg4[%swap3A_106, %swap3A_107] : memref<1x2048xf32, #tpu.memory_space<vmem>>, vector<1x2048xf32>
      %swap3A_109 = vector.shape_cast %swap3A_108 : vector<1x2048xf32> to vector<2048xf32>
      %swap3A_110 = vector.shape_cast %reduce_sum3A_105 : vector<2048xf32> to vector<1x2048xf32>
      tpu.vector_store %arg4[%swap3A_106, %swap3A_107], %swap3A_110 {strides = array<i32>} : memref<1x2048xf32, #tpu.memory_space<vmem>>, vector<1x2048xf32>,
    } else {
    }
    %mul3A = arith.constant 512 : i32
    %mul3A_2 = arith.muli %arg0, %mul3A : i32
    %get3A = arith.index_cast %mul3A_2 : i32 to index
    %get3A_3 = arith.constant 0 : index
    %get3A_4 = vector.load %arg1[%get3A, %get3A_3] : memref<2048x768xf32, #tpu.memory_space<vmem>>, vector<512x768xf32>
    %get3A_5 = arith.constant 0 : index
    %get3A_6 = arith.constant 0 : index
    %get3A_7 = vector.load %arg1[%get3A_5, %get3A_6] : memref<2048x768xf32, #tpu.memory_space<vmem>>, vector<2048x768xf32>
    %dot_general3A = arith.constant dense<0.000000e+00> : vector<512x2048xf32>
    %dot_general3A_8 = tpu.matmul %get3A_4, %get3A_7, %dot_general3A {dimension_numbers = #tpu.dot_dimension_numbers<[1], [1], [0], [0], [0, 0, 1, 0], [], []>, transpose_lhs_hint = false} : vector<512x768xf32>, vector<2048x768xf32>, vector<512x2048xf32> -> vector<512x2048xf32>
    %get3A_9 = arith.constant 0 : index
    %get3A_10 = arith.constant 0 : index
    %get3A_11 = vector.load %arg4[%get3A_9, %get3A_10] : memref<1x2048xf32, #tpu.memory_space<vmem>>, vector<1x2048xf32>
    %mul3A_12 = arith.constant 2.000000e+00 : f32
    %mul3A_13 = vector.broadcast %mul3A_12 : f32 to vector<512x2048xf32>
    %mul3A_14 = arith.mulf %mul3A_13, %dot_general3A_8 : vector<512x2048xf32>
    %sub3A = vector.broadcast %get3A_11 : vector<1x2048xf32> to vector<512x2048xf32>
    %sub3A_15 = arith.subf %sub3A, %mul3A_14 : vector<512x2048xf32>
    %swap3A = arith.constant 0 : index
    %swap3A_16 = arith.constant 0 : index
    %swap3A_17 = vector.load %arg2[%swap3A, %swap3A_16] : memref<512x2048xf32, #tpu.memory_space<vmem>>, vector<512x2048xf32>
    tpu.vector_store %arg2[%swap3A, %swap3A_16], %sub3A_15 {strides = array<i32>} : memref<512x2048xf32, #tpu.memory_space<vmem>>, vector<512x2048xf32>,
    %reduce_min3A = arith.constant dense<0x7F800000> : vector<512xf32>
    %reduce_min3A_18 = vector.multi_reduction <minimumf>, %sub3A_15, %reduce_min3A [1] : vector<512x2048xf32> to vector<512xf32>
    %broadcast_in_dim3A = vector.shape_cast %reduce_min3A_18 : vector<512xf32> to vector<512x1xf32>
    %gt3A = vector.broadcast %broadcast_in_dim3A : vector<512x1xf32> to vector<512x2048xf32>
    %gt3A_19 = arith.cmpf ogt, %sub3A_15, %gt3A : vector<512x2048xf32>
    %jit3A = arith.constant 0x7F800000 : f32
    %broadcast_in_dim3A_20 = vector.broadcast %jit3A : f32 to vector<512x2048xf32>
    %select_n3A = arith.select %gt3A_19, %sub3A_15, %broadcast_in_dim3A_20 : vector<512x2048xi1>, vector<512x2048xf32>
    %reduce_min3A_21 = arith.constant dense<0x7F800000> : vector<512xf32>
    %reduce_min3A_22 = vector.multi_reduction <minimumf>, %select_n3A, %reduce_min3A_21 [1] : vector<512x2048xf32> to vector<512xf32>
    %broadcast_in_dim3A_23 = vector.shape_cast %reduce_min3A_22 : vector<512xf32> to vector<512x1xf32>
    %gt3A_24 = vector.broadcast %broadcast_in_dim3A_23 : vector<512x1xf32> to vector<512x2048xf32>
    %gt3A_25 = arith.cmpf ogt, %sub3A_15, %gt3A_24 : vector<512x2048xf32>
    %jit3A_26 = arith.constant 0x7F800000 : f32
    %broadcast_in_dim3A_27 = vector.broadcast %jit3A_26 : f32 to vector<512x2048xf32>
    %select_n3A_28 = arith.select %gt3A_25, %sub3A_15, %broadcast_in_dim3A_27 : vector<512x2048xi1>, vector<512x2048xf32>
    %reduce_min3A_29 = arith.constant dense<0x7F800000> : vector<512xf32>
    %reduce_min3A_30 = vector.multi_reduction <minimumf>, %select_n3A_28, %reduce_min3A_29 [1] : vector<512x2048xf32> to vector<512xf32>
    %broadcast_in_dim3A_31 = vector.shape_cast %reduce_min3A_30 : vector<512xf32> to vector<512x1xf32>
    %gt3A_32 = vector.broadcast %broadcast_in_dim3A_31 : vector<512x1xf32> to vector<512x2048xf32>
    %gt3A_33 = arith.cmpf ogt, %sub3A_15, %gt3A_32 : vector<512x2048xf32>
    %jit3A_34 = arith.constant 0x7F800000 : f32
    %broadcast_in_dim3A_35 = vector.broadcast %jit3A_34 : f32 to vector<512x2048xf32>
    %select_n3A_36 = arith.select %gt3A_33, %sub3A_15, %broadcast_in_dim3A_35 : vector<512x2048xi1>, vector<512x2048xf32>
    %reduce_min3A_37 = arith.constant dense<0x7F800000> : vector<512xf32>
    %reduce_min3A_38 = vector.multi_reduction <minimumf>, %select_n3A_36, %reduce_min3A_37 [1] : vector<512x2048xf32> to vector<512xf32>
    %broadcast_in_dim3A_39 = vector.shape_cast %reduce_min3A_38 : vector<512xf32> to vector<512x1xf32>
    %gt3A_40 = vector.broadcast %broadcast_in_dim3A_39 : vector<512x1xf32> to vector<512x2048xf32>
    %gt3A_41 = arith.cmpf ogt, %sub3A_15, %gt3A_40 : vector<512x2048xf32>
    %jit3A_42 = arith.constant 0x7F800000 : f32
    %broadcast_in_dim3A_43 = vector.broadcast %jit3A_42 : f32 to vector<512x2048xf32>
    %select_n3A_44 = arith.select %gt3A_41, %sub3A_15, %broadcast_in_dim3A_43 : vector<512x2048xi1>, vector<512x2048xf32>
    %reduce_min3A_45 = arith.constant dense<0x7F800000> : vector<512xf32>
    %reduce_min3A_46 = vector.multi_reduction <minimumf>, %select_n3A_44, %reduce_min3A_45 [1] : vector<512x2048xf32> to vector<512xf32>
    %broadcast_in_dim3A_47 = vector.shape_cast %reduce_min3A_46 : vector<512xf32> to vector<512x1xf32>
    %gt3A_48 = vector.broadcast %broadcast_in_dim3A_47 : vector<512x1xf32> to vector<512x2048xf32>
    %gt3A_49 = arith.cmpf ogt, %sub3A_15, %gt3A_48 : vector<512x2048xf32>
    %jit3A_50 = arith.constant 0x7F800000 : f32
    %broadcast_in_dim3A_51 = vector.broadcast %jit3A_50 : f32 to vector<512x2048xf32>
    %select_n3A_52 = arith.select %gt3A_49, %sub3A_15, %broadcast_in_dim3A_51 : vector<512x2048xi1>, vector<512x2048xf32>
    %reduce_min3A_53 = arith.constant dense<0x7F800000> : vector<512xf32>
    %reduce_min3A_54 = vector.multi_reduction <minimumf>, %select_n3A_52, %reduce_min3A_53 [1] : vector<512x2048xf32> to vector<512xf32>
    %broadcast_in_dim3A_55 = vector.shape_cast %reduce_min3A_54 : vector<512xf32> to vector<512x1xf32>
    %reduce_max3A = arith.constant dense<0xFF800000> : vector<512xf32>
    %reduce_max3A_56 = vector.multi_reduction <maximumf>, %sub3A_15, %reduce_max3A [1] : vector<512x2048xf32> to vector<512xf32>
    %broadcast_in_dim3A_57 = vector.shape_cast %reduce_max3A_56 : vector<512xf32> to vector<512x1xf32>
    %lt3A = vector.broadcast %broadcast_in_dim3A_57 : vector<512x1xf32> to vector<512x2048xf32>
    %lt3A_58 = arith.cmpf olt, %sub3A_15, %lt3A : vector<512x2048xf32>
    %neg3A = arith.constant 0.000000e+00 : f32
    %neg3A_59 = arith.constant 0x7F800000 : f32
    %neg3A_60 = arith.subf %neg3A, %neg3A_59 : f32
    %broadcast_in_dim3A_61 = vector.broadcast %neg3A_60 : f32 to vector<512x2048xf32>
    %select_n3A_62 = arith.select %lt3A_58, %sub3A_15, %broadcast_in_dim3A_61 : vector<512x2048xi1>, vector<512x2048xf32>
    %reduce_max3A_63 = arith.constant dense<0xFF800000> : vector<512xf32>
    %reduce_max3A_64 = vector.multi_reduction <maximumf>, %select_n3A_62, %reduce_max3A_63 [1] : vector<512x2048xf32> to vector<512xf32>
    %broadcast_in_dim3A_65 = vector.shape_cast %reduce_max3A_64 : vector<512xf32> to vector<512x1xf32>
    %lt3A_66 = vector.broadcast %broadcast_in_dim3A_65 : vector<512x1xf32> to vector<512x2048xf32>
    %lt3A_67 = arith.cmpf olt, %sub3A_15, %lt3A_66 : vector<512x2048xf32>
    %neg3A_68 = arith.constant 0.000000e+00 : f32
    %neg3A_69 = arith.constant 0x7F800000 : f32
    %neg3A_70 = arith.subf %neg3A_68, %neg3A_69 : f32
    %broadcast_in_dim3A_71 = vector.broadcast %neg3A_70 : f32 to vector<512x2048xf32>
    %select_n3A_72 = arith.select %lt3A_67, %sub3A_15, %broadcast_in_dim3A_71 : vector<512x2048xi1>, vector<512x2048xf32>
    %reduce_max3A_73 = arith.constant dense<0xFF800000> : vector<512xf32>
    %reduce_max3A_74 = vector.multi_reduction <maximumf>, %select_n3A_72, %reduce_max3A_73 [1] : vector<512x2048xf32> to vector<512xf32>
    %broadcast_in_dim3A_75 = vector.shape_cast %reduce_max3A_74 : vector<512xf32> to vector<512x1xf32>
    %lt3A_76 = vector.broadcast %broadcast_in_dim3A_75 : vector<512x1xf32> to vector<512x2048xf32>
    %lt3A_77 = arith.cmpf olt, %sub3A_15, %lt3A_76 : vector<512x2048xf32>
    %neg3A_78 = arith.constant 0.000000e+00 : f32
    %neg3A_79 = arith.constant 0x7F800000 : f32
    %neg3A_80 = arith.subf %neg3A_78, %neg3A_79 : f32
    %broadcast_in_dim3A_81 = vector.broadcast %neg3A_80 : f32 to vector<512x2048xf32>
    %select_n3A_82 = arith.select %lt3A_77, %sub3A_15, %broadcast_in_dim3A_81 : vector<512x2048xi1>, vector<512x2048xf32>
    %reduce_max3A_83 = arith.constant dense<0xFF800000> : vector<512xf32>
    %reduce_max3A_84 = vector.multi_reduction <maximumf>, %select_n3A_82, %reduce_max3A_83 [1] : vector<512x2048xf32> to vector<512xf32>
    %broadcast_in_dim3A_85 = vector.shape_cast %reduce_max3A_84 : vector<512xf32> to vector<512x1xf32>
    %lt3A_86 = vector.broadcast %broadcast_in_dim3A_85 : vector<512x1xf32> to vector<512x2048xf32>
    %lt3A_87 = arith.cmpf olt, %sub3A_15, %lt3A_86 : vector<512x2048xf32>
    %neg3A_88 = arith.constant 0.000000e+00 : f32
    %neg3A_89 = arith.constant 0x7F800000 : f32
    %neg3A_90 = arith.subf %neg3A_88, %neg3A_89 : f32
    %broadcast_in_dim3A_91 = vector.broadcast %neg3A_90 : f32 to vector<512x2048xf32>
    %select_n3A_92 = arith.select %lt3A_87, %sub3A_15, %broadcast_in_dim3A_91 : vector<512x2048xi1>, vector<512x2048xf32>
    %reduce_max3A_93 = arith.constant dense<0xFF800000> : vector<512xf32>
    %reduce_max3A_94 = vector.multi_reduction <maximumf>, %select_n3A_92, %reduce_max3A_93 [1] : vector<512x2048xf32> to vector<512xf32>
    %broadcast_in_dim3A_95 = vector.shape_cast %reduce_max3A_94 : vector<512xf32> to vector<512x1xf32>
    %broadcast_in_dim3A_96 = arith.constant 0.000000e+00 : f32
    %broadcast_in_dim3A_97 = vector.broadcast %broadcast_in_dim3A_96 : f32 to vector<512x118xf32>
    %concatenate3A = tpu.concatenate %broadcast_in_dim3A_23, %broadcast_in_dim3A_31, %broadcast_in_dim3A_39, %broadcast_in_dim3A_47, %broadcast_in_dim3A_55, %broadcast_in_dim3A_57, %broadcast_in_dim3A_65, %broadcast_in_dim3A_75, %broadcast_in_dim3A_85, %broadcast_in_dim3A_95, %broadcast_in_dim3A_97 in 1 : vector<512x1xf32>, vector<512x1xf32>, vector<512x1xf32>, vector<512x1xf32>, vector<512x1xf32>, vector<512x1xf32>, vector<512x1xf32>, vector<512x1xf32>, vector<512x1xf32>, vector<512x1xf32>, vector<512x118xf32> -> vector<512x128xf32>
    %swap3A_98 = arith.constant 0 : index
    %swap3A_99 = arith.constant 0 : index
    %swap3A_100 = vector.load %arg3[%swap3A_98, %swap3A_99] : memref<512x128xf32, #tpu.memory_space<vmem>>, vector<512x128xf32>
    tpu.vector_store %arg3[%swap3A_98, %swap3A_99], %concatenate3A {strides = array<i32>} : memref<512x128xf32, #tpu.memory_space<vmem>>, vector<512x128xf32>,
    return
  }
  func.func @transform_0(%arg0: i32) -> (i32, i32) {
    %c0_i32 = arith.constant 0 : i32
    %c0_i32_0 = arith.constant 0 : i32
    %c0_i32_1 = arith.constant 0 : i32
    return %c0_i32, %c0_i32_0 : i32, i32
  }
  func.func @transform_1(%arg0: i32) -> (i32, i32) {
    %c0_i32 = arith.constant 0 : i32
    %c0_i32_0 = arith.constant 0 : i32
    return %arg0, %c0_i32 : i32, i32
  }
  func.func @transform_2(%arg0: i32) -> (i32, i32) {
    %c0_i32 = arith.constant 0 : i32
    %c0_i32_0 = arith.constant 0 : i32
    return %arg0, %c0_i32 : i32, i32
  }
}

</mosaic_0001>

<sc_bundles>
// kernel: kernel.5.cloned.1.call-start
scs
__scs_entry_jumppad:
0x0: {  	(pc) =	sbr.rel $0x88, $3  }
0x1: {  	(tag) =	ssettag $0x0;
	lr =	simm.s32 $0x1  }
0x2: {  	[smem:$0x3F9E] =	sst lr;
	_ =	strace $0xD0000000  }
0x3: {  	_ = 	snop  }
0x4: {  	_ = 	snop  }
0x5: {  	_ = 	snop  }
0x6: {  	_ = 	snop  }
0x7: {  	_ = 	snop  }
__scs_overlays_trampoline_lowered:
0x8: {  	[smem:$0x3FAD] =	sst s0  }
0x9: {  	[smem:$0x3FAE] =	sst s1  }
0xa: {  	[smem:$0x3FAF] =	sst s2  }
0xb: {  	[smem:$0x3FB0] =	sst s3  }
0xc: {  	[smem:$0x3FB1] =	sst s4  }
0xd: {  	[smem:$0x3FB2] =	sst s5  }
0xe: {  	[smem:$0x3FB3] =	sst s6  }
0xf: {  	[smem:$0x3FB4] =	sst s7  }
0x10: {  	[smem:$0x3FB5] =	sst s8  }
0x11: {  	[smem:$0x3FB6] =	sst s9;
	s0 =	simm.s32 @!p0 $0x0  }
0x12: {  	s1 =	sld [smem:$0x3F9C];
	s0 =	simm.s32 @p0 $0x1  }
0x13: {  	[smem:$0x3FB7] =	sst s0;
	s0 =	simm.s32 @!p1 $0x0  }
0x14: {  	s2 =	sld [smem:$0x3F9B];
	s0 =	simm.s32 @p1 $0x1  }
0x15: {  	[smem:$0x3FB8] =	sst s0;
	s0 =	simm.s32 @!p2 $0x0  }
0x16: {  	s3 =	sld [smem:$0x3FDB];
	s0 =	simm.s32 @p2 $0x1  }
0x17: {  	s4 =	simm.s32 $0x1BF5;
	[smem:$0x3FBA] =	sst s0  }
0x18: {  	s0 =	sld [smem:$0x3F9D];
	_ =	swait.ge [sflag:s4], $0x0  }
0x19: {  	s7 =	sld [smem:$0x3F9E]  }
0x1a: {  	s8 =	sadd.s32 $0xFFFFE003, lr  }
0x1b: {  	s9 =	sadd.s32 $0xFFFFFEF7, lr;
	s5 =	simm.s32 $0xFFFFFFFF;
	p2 =	slt.u32 s8, $0xFFFFF086  }
0x1c: {  	p1 =	slt.u32 s9, $0xF7A;
	s5 =	simm.s32 @!p2 $0x0  }
0x1d: {  	s5 =	simm.s32 @p1 $0x1;
	p0 =	seq.s32 s7, s2  }
0x1e: {  	s7 =	smul.u32 @!p0 $0xF7A, s2;
	p2 =	seq.s32 @!p0 s5, $0x0  }
0x1f: {  	s9 =	smul.u32 $0xF7A, s1;
	s8 =	simm.s32 @!p0 $0x1BF5;
	p2 =	por !p2, p0  }
0x20: {  	[sflag:s8] =	ssyncset.s32 @!p0 $0xFFFFF086;
	s6 =	sadd.s32 @!p0 s3, s7;
	s7 =	simm.s32 @!p0 $0x108  }
0x21: {  	s3 =	sadd.s32 s3, s9;
	s6 =	sadd.s32 @!p0 $0x88, s6;
	s7 =	simm.s32 @p2 $0x1082  }
0x22: {  	[simem:s7], [sflag:s8] =	dma.local @!p0 [hbm:s6], $0xF7A  }
0x23: {  	s9 =	sor.u32 $0xD0000000, s2;
	s6 =	simm.s32 $0x108;
	_ =	swait.ge @!p0 [sflag:s8], $0x0  }
0x24: {  	s3 =	sadd.s32 $0x88, s3;
	s6 =	simm.s32 @!p1 $0x1082;
	[sflag:s4] =	ssyncset.s32 $0xFFFFF086  }
0x25: {  	[simem:s6], [sflag:s4] =	dma.local [hbm:s3], $0xF7A  }
0x26: {  	[smem:$0x3F9E] =	sst s1;
	(tag) =	ssettag s2;
	_ =	strace s9  }
0x27: {  	s1 =	sld [smem:$0x3FAE]  }
0x28: {  	s2 =	sld [smem:$0x3FAF]  }
0x29: {  	s4 =	sld [smem:$0x3FB1]  }
0x2a: {  	p0 =	seq.s32 s5, $0x0;
	s5 =	sld [smem:$0x3FB2]  }
0x2b: {  	s6 =	sld [smem:$0x3FB3]  }
0x2c: {  	s7 =	sld [smem:$0x3FB4]  }
0x2d: {  	s3 =	simm.s32 $0x108;
	s8 =	sld [smem:$0x3FB5]  }
0x2e: {  	s3 =	simm.s32 @!p0 $0x1082;
	s9 =	sld [smem:$0x3FB6]  }
0x2f: {  	lr =	sadd.s32 s0, s3;
	s0 =	sld [smem:$0x3FAD]  }
0x30: {  	s3 =	sld [smem:$0x3FB0]  }
0x31: {  	[smem:$0x3FB9] =	sst s10  }
0x32: {  	s10 =	sld [smem:$0x3FB7];
	_ =	sdelay $0x3  }
0x33: {  	p0 =	seq.s32 s10, $0x1;
	s10 =	sld [smem:$0x3FB9];
	_ =	sdelay $0x3  }
0x34: {  	[smem:$0x3FB9] =	sst s10  }
0x35: {  	s10 =	sld [smem:$0x3FB8];
	_ =	sdelay $0x3  }
0x36: {  	p1 =	seq.s32 s10, $0x1;
	s10 =	sld [smem:$0x3FB9];
	_ =	sdelay $0x3  }
0x37: {  	[smem:$0x3FB9] =	sst s10  }
0x38: {  	s10 =	sld [smem:$0x3FBA]  }
0x39: {  	_ = 	snop;
	(pc) =	sbr.ind lr, $3  }
0x3a: {  	_ = 	snop  }
0x3b: {  	_ = 	snop  }
0x3c: {  	p2 =	seq.s32 s10, $0x1;
	s10 =	sld [smem:$0x3FB9]  }
0x3d: {  	_ =	shalt  }
0x3e: {  	_ =	shalt  }
0x3f: {  	_ =	shalt  }
0x40: {  	_ =	shalt  }
0x41: {  	_ =	shalt  }
0x42: {  	_ =	shalt  }
0x43: {  	_ =	shalt  }
0x44: {  	_ =	shalt  }
0x45: {  	_ =	shalt  }
0x46: {  	_ =	shalt  }
0x47: {  	_ =	shalt  }
0x48: {  	_ =	shalt  }
0x49: {  	_ =	shalt  }
0x4a: {  	_ =	shalt  }
0x4b: {  	_ =	shalt  }
0x4c: {  	_ =	shalt  }
0x4d: {  	_ =	shalt  }
0x4e: {  	_ =	shalt  }
0x4f: {  	_ =	shalt  }
0x50: {  	_ =	shalt  }
0x51: {  	_ =	shalt  }
0x52: {  	_ =	shalt  }
0x53: {  	_ =	shalt  }
0x54: {  	_ =	shalt  }
0x55: {  	_ =	shalt  }
0x56: {  	_ =	shalt  }
0x57: {  	_ =	shalt  }
0x58: {  	_ =	shalt  }
0x59: {  	_ =	shalt  }
0x5a: {  	_ =	shalt  }
0x5b: {  	_ =	shalt  }
0x5c: {  	_ =	shalt  }
0x5d: {  	_ =	shalt  }
0x5e: {  	_ =	shalt  }
0x5f: {  	_ =	shalt  }
0x60: {  	_ =	shalt  }
0x61: {  	_ =	shalt  }
0x62: {  	_ =	shalt  }
0x63: {  	_ =	shalt  }
0x64: {  	_ =	shalt  }
0x65: {  	_ =	shalt  }
0x66: {  	_ =	shalt  }
0x67: {  	_ =	shalt  }
0x68: {  	_ =	shalt  }
0x69: {  	_ =	shalt  }
0x6a: {  	_ =	shalt  }
0x6b: {  	_ =	shalt  }
0x6c: {  	_ =	shalt  }
0x6d: {  	_ =	shalt  }
0x6e: {  	_ =	shalt  }
0x6f: {  	_ =	shalt  }
0x70: {  	_ =	shalt  }
0x71: {  	_ =	shalt  }
0x72: {  	_ =	shalt  }
0x73: {  	_ =	shalt  }
0x74: {  	_ =	shalt  }
0x75: {  	_ =	shalt  }
0x76: {  	_ =	shalt  }
0x77: {  	_ =	shalt  }
0x78: {  	_ =	shalt  }
0x79: {  	_ =	shalt  }
0x7a: {  	_ =	shalt  }
0x7b: {  	_ =	shalt  }
0x7c: {  	_ =	shalt  }
0x7d: {  	_ =	shalt  }
0x7e: {  	_ =	shalt  }
0x7f: {  	_ =	shalt  }
0x80: {  	_ =	shalt  }
0x81: {  	_ =	shalt  }
0x82: {  	_ =	shalt  }
0x83: {  	_ =	shalt  }
0x84: {  	_ =	shalt  }
0x85: {  	_ =	shalt  }
0x86: {  	_ =	shalt  }
0x87: {  	_ =	shalt  }
.Lfunc_end0:
.L_simem_size_0:
called_computation_lowered:
.L_overlay_start_0:
0x88: {  	s2 =	sld [smem:$0x3FD9]  }
0x89: {  	s3 =	sld [smem:$0x3FFE];
	_ =	sdelay $0x1  }
0x8a: {  	s1 =	srdreg.scid  }
0x8b: {  	s0 =	sand.u32 $0x1, s1  }
0x8c: {  	s17 =	sshll.u32 s0, $0xA;
	s2 =	sadd.s32 s3, s2  }
0x8d: {  	s2 =	sadd.s32 s2, s17  }
0x8e: {  	[smem:$0x3FC5] =	sst s2  }
0x8f: {  	_ = 	snop  }
0x90: {  	s2 =	sld [smem:$0x3FC8]  }
0x91: {  	s18 =	sld [smem:$0x3FC7];
	(tm) =	ssettm $0x1  }
0x92: {  	s4 =	sld [smem:$0x3FFB];
	_ =	sdelay $0x3  }
0x93: {  	_ =	strace s4  }
0x94: {  	s4 =	sld [smem:$0x3FFC];
	_ =	sdelay $0x3  }
0x95: {  	_ =	strace s4  }
0x96: {  	s4 =	sld [smem:$0x3FFD];
	_ =	sdelay $0x3  }
0x97: {  	_ =	strace s4  }
0x98: {  	_ =	strace $0x8FFFFFFF  }
0x99: {  	s19 =	sld [smem:$0x3FDB];
	_ =	sdelay $0x1  }
0x9a: {  	s5 =	simm.s32 $_scs_section_size  }
0x9b: {  	s6 =	simm.s32 $_size__tile_overlayer_lowered;
	s7 =	simm.s32 $_tile_overlayer_lowered  }
0x9c: {  	s22 =	simm.s32 $0x1BFF;
	s21 =	sshll.u32 s7, $0x1;
	s4 =	sadd.s32 s5, s19  }
0x9d: {  	s8 =	simm.s32 $0x0;
	s20 =	sshll.u32 s6, $0x1;
	s6 =	sadd.s32 s21, s4  }
0x9e: {  	[timem:s8], [sflag:s22] =	dma.local [hbm:s6], s20  }
0x9f: {  	_ =	swait.ge [sflag:s22], s20  }
0xa0: {  	s5 =	ssub.s32 $0x0, s20;
	[sflag:s22] =	ssyncset.done $0x0  }
0xa1: {  	[sflag:s22] =	ssyncadd.s32 s5;
	_ =	sdelay $0x1  }
0xa2: {  	s23 =	simm.s32 $0x1B8B  }
0xa3: {  	_ =	swait.ge [sflag:s23], $0x1  }
0xa4: {  	[sflag:s23] =	ssyncset.done $0x0  }
0xa5: {  	s25 =	simm.s32 $0x1B8E;
	s24 =	sld [smem:$0x3FFE];
	[sflag:s23] =	ssyncadd.s32 $0xFFFFFFFF  }
0xa6: {  	s26 =	simm.s32 $execute0_lowered;
	[smem:$0x3FD2] =	sst s25  }
0xa7: {  	s6 =	sshll.u32 s26, $0x1;
	_ =	strace $0x80000046;
	[dreg:$0x1] =	wrdreg $0xFFFFFFFF  }
0xa8: {  	s28 =	simm.s32 $_size_execute0_lowered;
	s4 =	sadd.s32 s4, s6;
	[dreg:$0x0] =	wrdreg $0x0  }
0xa9: {  	s6 =	sshll.u32 s28, $0x1;
	[dreg:$0x2] =	wrdreg s4  }
0xaa: {  	[dreg:$0x3] =	wrdreg s6  }
0xab: {  	[dreg:$0x4] =	wrdreg $0xC0  }
0xac: {  	_ =	task [dreg:s8], $0x5FFFF  }
0xad: {  	[dreg:$0x1] =	wrdreg $0xFFFFFFFF  }
0xae: {  	[dreg:$0x0] =	wrdreg $0x60  }
0xaf: {  	[dreg:$0x2] =	wrdreg s2  }
0xb0: {  	[dreg:$0x3] =	wrdreg s18  }
0xb1: {  	[dreg:$0x4] =	wrdreg s24  }
0xb2: {  	[dreg:$0x5] =	wrdreg $0x9  }
0xb3: {  	_ =	task.clear_ibuf [dreg:s8], $0x6FFFF;
	_ =	strace $0x90000046  }
0xb4: {  	s29 =	simm.s32 $0x9;
	_ =	strace $0x80000048  }
0xb5: {  	_ =	swait.ge [sflag:s29], $0x1  }
0xb6: {  	[sflag:s29] =	ssyncadd.s32 $0xFFFFFFFF  }
0xb7: {  	_ =	strace $0x90000048  }
0xb8: {  	_ =	sfence  }
0xb9: {  	s30 =	sld [smem:$0x0];
	_ =	sdelay $0x2  }
0xba: {  	s31 =	sshll.u32 s1, $0xD;
	s1 =	sshrl.u32 s1, $0x2  }
0xbb: {  	s3 =	sand.u32 $0x4000, s31;
	s1 =	sadd.s32 s1, s30  }
0xbc: {  	s0 =	sor.u32 s3, s0;
	s1 =	sshll.u32 s1, $0x11  }
0xbd: {  	s0 =	sor.u32 s1, s0  }
0xbe: {  	s0 =	sadd.s32 $0x8F2B, s0  }
0xbf: {  	[sflag:s0] =	ssyncadd.remote.s32 $0x1  }
0xc0: {  	_ =	sfence.sel $0xFFFF  }
0xc1: {  	[dreg:$0x0] =	wrdreg $0xFFFFFFFF;
	(pc) =	sbr.abs _section_cstart, $3  }
0xc2: {  	[dreg:$0x1] =	wrdreg $0xFFFFFFFF  }
0xc3: {  	_ =	task.clear_ibuf [dreg:s8], $0x2FFFF;
	_ =	strace $0x9FFFFFFF  }
0xc4: {  	(tm) =	ssettm $0x7FFFFFFF  }
0xc5: {  	_ =	shalt  }
tec
execute0_lowered:
.L_overlay_start_1:
0x0: {  	(tag) =	ssettag $0x1  }
0x1: {  	s1 =	rddreg [dreg:$0x0]  }
0x2: {  	s0 =	rddreg [dreg:$0x1]  }
0x3: {  	s4 =	rddreg [dreg:$0x2];
	s3 =	srdreg.scid  }
0x4: {  	s2 =	stileid.u32;
	s23 =	simm.s32 $0x880;
	s24 =	simm.s32 $0x1080  }
0x5: {  	s25 =	simm.s32 $0x1880;
	s26 =	simm.s32 $0x2080;
	s10 =	simm.s32 $0x3080  }
0x6: {  	s11 =	simm.s32 $0x3880;
	s12 =	simm.s32 $0x4080;
	s13 =	simm.s32 $0x4880  }
0x7: {  	s14 =	simm.s32 $0x5080;
	s15 =	simm.s32 $0x5880;
	s16 =	simm.s32 $0x6080  }
0x8: {  	s17 =	simm.s32 $0x6880;
	s18 =	simm.s32 $0x7080;
	s19 =	simm.s32 $0x7880  }
0x9: {  	s28 =	simm.s32 $0xB880;
	s5 =	sand.u32 $0x1, s3;
	s3 =	simm.s32 $0x0  }
0xa: {  	s29 =	simm.s32 $0x1;
	s30 =	simm.s32 $0x2;
	[smem:$0x7FF] =	sst s3  }
0xb: {  	s31 =	simm.s32 $0x3;
	_ =	strace $0x80000047;
	[dreg:$0x7] =	wrdreg s23  }
0xc: {  	s6 =	sshll.u32 s2, $0x4;
	s4 =	sadd.s32 $0xA00, s4;
	[dreg:$0x8] =	wrdreg s24  }
0xd: {  	s7 =	sshll.u32 s5, $0x3;
	s5 =	ssub.s32 $0x2, s5;
	[dreg:$0x9] =	wrdreg s25  }
0xe: {  	s6 =	sor.u32 s7, s6;
	s8 =	sshrl.u32 s5, $0x1;
	[dreg:$0xa] =	wrdreg s26  }
0xf: {  	s23 =	simm.s32 $0x9880;
	s24 =	simm.s32 $0xA080;
	s25 =	simm.s32 $0xA880  }
0x10: {  	s26 =	simm.s32 $0xB080;
	s7 =	smul.u32 $0x1800, s6;
	s0 =	sadd.s32 s0, s6  }
0x11: {  	s9 =	smul.u32 $0x300, s6;
	s8 =	ssub.s32 s5, s8;
	[dreg:$0x4] =	wrdreg s0  }
0x12: {  	s6 =	smax.u32 s8, $0x1;
	s8 =	simm.s32 $0x80;
	s0 =	simm.s32 $0x4  }
0x13: {  	s20 =	sshrl.u32 s7, $0x3;
	s21 =	sadd.s32 s4, s9;
	s7 =	simm.s32 $0x5  }
0x14: {  	v2 =	vlaneseq.u32;
	s5 =	sadd.s32 s4, s20;
	s4 =	sadd.s32 $0x100, s1;
	[dreg:$0x5] =	wrdreg s21  }
0x15: {  	vm0 =	vmmov $0xffff;
	v1 =	vshrl.u32 v2, $0x3;
	s20 =	simm.s32 $0x8080;
	s21 =	simm.s32 $0x8880;
	s22 =	sadd.s32 $0xC00, s5  }
0x16: {  	v0 =	vand.u32 $0x7, v2;
	v2 =	vor.u32 $0x8, v2;
	v1 =	vmul.u32 $0x8, v1;
	s5 =	sadd.s32 $0x200, s1;
	[dreg:$0x6] =	wrdreg s22;
	s22 =	simm.s32 $0x9080  }
.LBB2_1:
0x17: {  	s2 =	rddreg [dreg:$0x4]  }
0x18: {  	[tilespmem:s3], [sflag:$0x5] =	stream.linear.gather [hbm4b:s2+s3], $0x40, $0x38;
	[tilespmem:$0xC080] =	vst v63  }
0x19: {  	_ =	swait.ge [sflag:s7], $0x40  }
0x1a: {  	[sflag:s7] =	ssyncset.done $0x0  }
0x1b: {  	[sflag:s7] =	ssyncadd.s32 $0xFFFFFFC0  }
0x1c: {  	v3 =	vld [tilespmem:$0x0];
	_ =	sdelay $0x4  }
0x1d: {  	v4 =	vshrl.u32 v3, $0x3  }
0x1e: {  	v4 =	vmul.u32 $0x30, v4  }
0x1f: {  	v3 =	vand.u32 $0x7, v3  }
0x20: {  	v3 =	vor.u32 v3, v4  }
0x21: {  	v4 =	vperm.xlane v3, v0;
	_ =	sdelay $0x1  }
0x22: {  	v4 =	vadd.s32 v1, v4;
	_ =	sdelay $0x3  }
0x23: {  	v3 =	vperm.xlane v3, v2  }
0x24: {  	[tilespmem:s8], [sflag:$0x1] =	stream.indirect_vreg.gather [hbm4b:s1+s3], $0x80, v4, vm0, $0xb8;
	[tilespmem:$0xC080] =	vst v63  }
0x25: {  	s2 =	rddreg [dreg:$0x7];
	v3 =	vadd.s32 v1, v3  }
0x26: {  	[tilespmem:s2], [sflag:$0x1] =	stream.indirect_vreg.gather [hbm4b:s4+s3], $0x80, v4, vm0, $0xb8;
	[tilespmem:$0xC080] =	vst v63  }
0x27: {  	s9 =	rddreg [dreg:$0x8]  }
0x28: {  	[tilespmem:s9], [sflag:$0x1] =	stream.indirect_vreg.gather [hbm4b:s5+s3], $0x80, v4, vm0, $0xb8;
	[tilespmem:$0xC080] =	vst v63  }
0x29: {  	s2 =	rddreg [dreg:$0x9]  }
0x2a: {  	[tilespmem:s2], [sflag:$0x1] =	stream.indirect_vreg.gather [hbm4b:s1+s3], $0x80, v3, vm0, $0xb8;
	[tilespmem:$0xC080] =	vst v63  }
0x2b: {  	s9 =	rddreg [dreg:$0xa]  }
0x2c: {  	[tilespmem:s9], [sflag:$0x1] =	stream.indirect_vreg.gather [hbm4b:s4+s3], $0x80, v3, vm0, $0xb8;
	[tilespmem:$0xC080] =	vst v63  }
0x2d: {  	s9 =	simm.s32 $0x2880  }
0x2e: {  	[tilespmem:s9], [sflag:$0x1] =	stream.indirect_vreg.gather [hbm4b:s5+s3], $0x80, v3, vm0, $0xb8;
	[tilespmem:$0xC080] =	vst v63  }
0x2f: {  	v3 =	vld [tilespmem:$0x10];
	_ =	sdelay $0x4  }
0x30: {  	v61 =	vshrl.u32 v3, $0x3  }
0x31: {  	v4 =	vmul.u32 $0x30, v61  }
0x32: {  	v3 =	vand.u32 $0x7, v3  }
0x33: {  	v3 =	vor.u32 v3, v4  }
0x34: {  	v4 =	vperm.xlane v3, v0;
	_ =	sdelay $0x1  }
0x35: {  	v4 =	vadd.s32 v1, v4;
	_ =	sdelay $0x3  }
0x36: {  	v3 =	vperm.xlane v3, v2  }
0x37: {  	[tilespmem:s10], [sflag:$0x1] =	stream.indirect_vreg.gather [hbm4b:s1+s3], $0x80, v4, vm0, $0xb8;
	[tilespmem:$0xC080] =	vst v63  }
0x38: {  	v3 =	vadd.s32 v1, v3  }
0x39: {  	[tilespmem:s11], [sflag:$0x1] =	stream.indirect_vreg.gather [hbm4b:s4+s3], $0x80, v4, vm0, $0xb8;
	[tilespmem:$0xC080] =	vst v63  }
0x3a: {  	_ = 	snop  }
0x3b: {  	[tilespmem:s12], [sflag:$0x1] =	stream.indirect_vreg.gather [hbm4b:s5+s3], $0x80, v4, vm0, $0xb8;
	[tilespmem:$0xC080] =	vst v63  }
0x3c: {  	_ = 	snop  }
0x3d: {  	[tilespmem:s13], [sflag:$0x1] =	stream.indirect_vreg.gather [hbm4b:s1+s3], $0x80, v3, vm0, $0xb8;
	[tilespmem:$0xC080] =	vst v63  }
0x3e: {  	_ = 	snop  }
0x3f: {  	[tilespmem:s14], [sflag:$0x1] =	stream.indirect_vreg.gather [hbm4b:s4+s3], $0x80, v3, vm0, $0xb8;
	[tilespmem:$0xC080] =	vst v63  }
0x40: {  	_ = 	snop  }
0x41: {  	[tilespmem:s15], [sflag:$0x1] =	stream.indirect_vreg.gather [hbm4b:s5+s3], $0x80, v3, vm0, $0xb8;
	[tilespmem:$0xC080] =	vst v63  }
0x42: {  	v3 =	vld [tilespmem:$0x20];
	_ =	sdelay $0x4  }
0x43: {  	v62 =	vshrl.u32 v3, $0x3  }
0x44: {  	v4 =	vmul.u32 $0x30, v62  }
0x45: {  	v3 =	vand.u32 $0x7, v3  }
0x46: {  	v3 =	vor.u32 v3, v4  }
0x47: {  	v4 =	vperm.xlane v3, v0;
	_ =	sdelay $0x1  }
0x48: {  	v4 =	vadd.s32 v1, v4;
	_ =	sdelay $0x3  }
0x49: {  	v3 =	vperm.xlane v3, v2  }
0x4a: {  	[tilespmem:s16], [sflag:$0x2] =	stream.indirect_vreg.gather [hbm4b:s1+s3], $0x80, v4, vm0, $0xb8;
	[tilespmem:$0xC080] =	vst v63  }
0x4b: {  	v3 =	vadd.s32 v1, v3  }
0x4c: {  	[tilespmem:s17], [sflag:$0x2] =	stream.indirect_vreg.gather [hbm4b:s4+s3], $0x80, v4, vm0, $0xb8;
	[tilespmem:$0xC080] =	vst v63  }
0x4d: {  	_ = 	snop  }
0x4e: {  	[tilespmem:s18], [sflag:$0x2] =	stream.indirect_vreg.gather [hbm4b:s5+s3], $0x80, v4, vm0, $0xb8;
	[tilespmem:$0xC080] =	vst v63  }
0x4f: {  	_ = 	snop  }
0x50: {  	[tilespmem:s19], [sflag:$0x2] =	stream.indirect_vreg.gather [hbm4b:s1+s3], $0x80, v3, vm0, $0xb8;
	[tilespmem:$0xC080] =	vst v63  }
0x51: {  	_ = 	snop  }
0x52: {  	[tilespmem:s20], [sflag:$0x2] =	stream.indirect_vreg.gather [hbm4b:s4+s3], $0x80, v3, vm0, $0xb8;
	[tilespmem:$0xC080] =	vst v63  }
0x53: {  	_ = 	snop  }
0x54: {  	[tilespmem:s21], [sflag:$0x2] =	stream.indirect_vreg.gather [hbm4b:s5+s3], $0x80, v3, vm0, $0xb8;
	[tilespmem:$0xC080] =	vst v63  }
0x55: {  	v3 =	vld [tilespmem:$0x30];
	_ =	sdelay $0x4  }
0x56: {  	v63 =	vshrl.u32 v3, $0x3  }
0x57: {  	v4 =	vmul.u32 $0x30, v63  }
0x58: {  	v3 =	vand.u32 $0x7, v3  }
0x59: {  	v3 =	vor.u32 v3, v4  }
0x5a: {  	v4 =	vperm.xlane v3, v0;
	_ =	sdelay $0x1  }
0x5b: {  	v4 =	vadd.s32 v1, v4;
	_ =	sdelay $0x3  }
0x5c: {  	v3 =	vperm.xlane v3, v2  }
0x5d: {  	[tilespmem:s22], [sflag:$0x2] =	stream.indirect_vreg.gather [hbm4b:s1+s3], $0x80, v4, vm0, $0xb8;
	[tilespmem:$0xC080] =	vst v63  }
0x5e: {  	v3 =	vadd.s32 v1, v3  }
0x5f: {  	[tilespmem:s23], [sflag:$0x2] =	stream.indirect_vreg.gather [hbm4b:s4+s3], $0x80, v4, vm0, $0xb8;
	[tilespmem:$0xC080] =	vst v63  }
0x60: {  	_ = 	snop  }
0x61: {  	[tilespmem:s24], [sflag:$0x2] =	stream.indirect_vreg.gather [hbm4b:s5+s3], $0x80, v4, vm0, $0xb8;
	[tilespmem:$0xC080] =	vst v63  }
0x62: {  	_ = 	snop  }
0x63: {  	[tilespmem:s25], [sflag:$0x2] =	stream.indirect_vreg.gather [hbm4b:s1+s3], $0x80, v3, vm0, $0xb8;
	[tilespmem:$0xC080] =	vst v63  }
0x64: {  	_ = 	snop  }
0x65: {  	[tilespmem:s26], [sflag:$0x2] =	stream.indirect_vreg.gather [hbm4b:s4+s3], $0x80, v3, vm0, $0xb8;
	[tilespmem:$0xC080] =	vst v63  }
0x66: {  	_ = 	snop  }
0x67: {  	[tilespmem:s28], [sflag:$0x2] =	stream.indirect_vreg.gather [hbm4b:s5+s3], $0x80, v3, vm0, $0xb8;
	[tilespmem:$0xC080] =	vst v63  }
0x68: {  	_ =	swait.ge [sflag:s29], $0x6000  }
0x69: {  	[sflag:s29] =	ssyncset.done $0x0  }
0x6a: {  	s9 =	rddreg [dreg:$0x5];
	[sflag:s29] =	ssyncadd.s32 $0xFFFFA000  }
0x6b: {  	[hbm4b:s9+s3] =	stream.linear.scatter [tilespmem:s8], [sflag:$0x3], $0x6000, $0x38;
	[tilespmem:$0xC080] =	vst v63  }
0x6c: {  	_ =	swait.ge [sflag:s30], $0x6000  }
0x6d: {  	[sflag:s30] =	ssyncset.done $0x0  }
0x6e: {  	s9 =	rddreg [dreg:$0x6];
	[sflag:s30] =	ssyncadd.s32 $0xFFFFA000  }
0x6f: {  	[hbm4b:s9+s3] =	stream.linear.scatter [tilespmem:s16], [sflag:$0x4], $0x6000, $0x38;
	[tilespmem:$0xC080] =	vst v63  }
0x70: {  	p0 =	sne.s32 s6, $0x1;
	_ =	swait.ge [sflag:s31], $0x6000  }
.Ltmp0:
0x71: {  	[sflag:s31] =	ssyncset.done $0x0;
	(pc) =	sbr.rel @p0 .LBB2_1-.Ltmp0, $4  }
0x72: {  	[sflag:s31] =	ssyncadd.s32 $0xFFFFA000  }
0x73: {  	_ =	swait.ge [sflag:s0], $0x6000  }
0x74: {  	[sflag:s0] =	ssyncset.done $0x0  }
0x75: {  	s6 =	sadd.s32 $0xFFFFFFFF, s6;
	[sflag:s0] =	ssyncadd.s32 $0xFFFFA000  }
0x76: {  	_ =	sfence.sel $0x180000  }
0x77: {  	[bflag:$0x0] =	sbarrier.arrive $0xFFFF  }
0x78: {  	_ =	strace $0x90000047  }
0x79: {  	s0 =	stileid.u32;
	[bflag:$0x2] =	sbarrier.arrive $0xFFFF  }
0x7a: {  	p0 =	sne.s32 s0, $0x0;
	s0 =	rddreg [dreg:$0x3]  }
0x7b: {  	s0 =	sadd.s32 @!p0 $0x100000, s0  }
0x7c: {  	[sflag:s0] =	ssyncadd.tile.s32 @!p0 $0x1;
	_ =	shalt  }
.Lfunc_end2:
_tile_overlayer_lowered:
.L_overlay_start_2:
0x7d: {  	(tag) =	ssettag $0x2  }
0x7e: {  	s0 =	rddreg [dreg:$0x0];
	s2 =	stileid.u32  }
0x7f: {  	s1 =	rddreg [dreg:$0x1];
	p0 =	sne.s32 s2, $0x0  }
0x80: {  	s3 =	rddreg [dreg:$0x2];
	[bflag:$0x3] =	sbarrier.arrive $0xFFFF;
	s2 =	simm.s32 @!p0 $0x1C05  }
0x81: {  	[timem:s3], [sflag:s2] =	dma.local @!p0 [hbm:s0], s1  }
0x82: {  	s0 =	simm.s32 @!p0 $0x5  }
0x83: {  	_ =	swait.ge @!p0 [sflag:s0], s1  }
0x84: {  	s1 =	ssub.s32 @!p0 $0x0, s1;
	[sflag:s0] =	ssyncset.done @!p0 $0x0  }
0x85: {  	[sflag:s0] =	ssyncadd.s32 @!p0 s1  }
0x86: {  	[bflag:$0x3] =	sbarrier.arrive $0xFFFF  }
0x87: {  	_ =	shalt  }

</sc_bundles>
